<compile_context>
chip_gen: v7x
topology: tpu7x:2x2x1
jax: 0.10.2.dev20260603
libtpu: 0.0.44.dev20260713+nightly
codegen_flags: <defaults>
</compile_context>

<pallas_src>
import functools

import jax
import jax.numpy as jnp
from jax import lax
from jax.experimental import pallas as pl
from jax.experimental.pallas import tpu as pltpu
from jax.experimental.pallas import tpu_sc as plsc

_VOCAB = 100000
_EMBED = 64
_BATCH = 16384

_info = plsc.get_sparse_core_info()
_NC, _NS = _info.num_cores, _info.num_subcores
_NW = _NC * _NS
_RPT = _EMBED // _NW
_OCHUNK = 6144
_CHUNKS = ((0, 6144), (6144, 6144), (12288, 4096))
_UNROLL = 8


@functools.partial(
    pl.kernel,
    mesh=plsc.VectorSubcoreMesh(core_axis_name="c", subcore_axis_name="s"),
    compiler_params=pltpu.CompilerParams(needs_layout_passes=False),
    out_type=(
        jax.ShapeDtypeStruct((_EMBED, _BATCH), jnp.float32),
        jax.ShapeDtypeStruct((_EMBED, _BATCH), jnp.float32),
    ),
    scratch_types=[
        pltpu.VMEM((_VOCAB,), jnp.float32),
        pltpu.VMEM((_BATCH,), jnp.int32),
        pltpu.VMEM((2 * _OCHUNK,), jnp.float32),
        pltpu.SemaphoreType.DMA,
        pltpu.SemaphoreType.DMA,
    ],
)
def _sc_rowgather(wm_hbm, wlv_hbm, idx_hbm, om_hbm, olv_hbm, row_v, idx_v, ob_v, isem, osem):
    wid = lax.axis_index("s") * _NC + lax.axis_index("c")
    icopy = pltpu.async_copy(idx_hbm, idx_v, isem)
    pending = []
    first = True
    for tbl, out, is_var in ((wm_hbm, om_hbm, False), (wlv_hbm, olv_hbm, True)):
        for r in range(_RPT):
            row = wid * _RPT + r
            pltpu.sync_copy(tbl.at[row], row_v)
            if first:
                icopy.wait()
                first = False
            for off, size in _CHUNKS:
                buf = len(pending) % 2
                if len(pending) >= 2:
                    pending[-2].wait()

                @plsc.parallel_loop(0, size, 16, unroll=_UNROLL)
                def body(i):
                    iv = idx_v[pl.ds(off + i, 16)]
                    g = plsc.load_gather(row_v, [iv])
                    if is_var:
                        g = jnp.exp(g * 2.0)
                    ob_v[pl.ds(buf * _OCHUNK + i, 16)] = g

                pending.append(
                    pltpu.async_copy(
                        ob_v.at[pl.ds(buf * _OCHUNK, size)],
                        out.at[row, pl.ds(off, size)],
                        osem,
                    )
                )
    pending[-2].wait()
    pending[-1].wait()


def kernel(indices, W_mean, W_log_var):
    idx = indices.astype(jnp.int32)
    gm, gv = _sc_rowgather(W_mean, W_log_var, idx)
    return gm.T, gv.T

# --- scband reference (transcript-rebuilt; emitter-appended) ---
"""Pipeline reference for scband-prior-encoder-78718160601170 (READ-ONLY COPY).

The authoritative reference and input builder live on the scoring server;
editing this copy changes nothing except your own understanding.
"""

import jax, jax.numpy as jnp
import numpy as np

VOCAB = 100000
EMBED = 64
BATCH = 16384


def setup_inputs(seed: int = 0) -> dict:
    key = jax.random.key(seed)
    k1, k2, k3 = jax.random.split(key, 3)
    indices = jax.random.randint(k1, (BATCH,), 0, VOCAB)
    # nn.Linear(dim0, dim1, bias=False).weight has shape [dim1, dim0] = [EMBED, VOCAB]
    W_mean = (jax.random.normal(k2, (EMBED, VOCAB), dtype=jnp.float32) * 0.02)
    W_log_var = (jax.random.normal(k3, (EMBED, VOCAB), dtype=jnp.float32) * 0.02)
    return {"indices": indices, "W_mean": W_mean, "W_log_var": W_log_var}


def reference(indices, W_mean, W_log_var):
    # one_hot(indices, VOCAB) @ W.T  ==  gather rows of W.T at indices.
    # Math is identical to the torch module (one-hot matmul), expressed as an
    # embedding gather which is the SparseCore-friendly primitive.
    mean = jnp.take(W_mean.T, indices, axis=0)
    var = jnp.exp(jnp.take(W_log_var.T, indices, axis=0) * 2.0)
    return (mean, var)

if __name__ == "__main__":
    import jax
    _d = setup_inputs()
    print(jax.jit(kernel)(*tuple(_d.values())))

</pallas_src>

<mosaic_0001>
#map = affine_map<(d0, d1) -> (0, 0)>
#map1 = affine_map<(d0, d1) -> (0)>
module attributes {stable_mosaic.version = 14 : i64} {
  func.func @_sc_rowgather(%arg0: i32, %arg1: i32, %arg2: memref<64x100000xf32, #tpu.memory_space<hbm>>, %arg3: memref<64x100000xf32, #tpu.memory_space<hbm>>, %arg4: memref<16384xi32, #tpu.memory_space<hbm>>, %arg5: memref<64x16384xf32, #tpu.memory_space<hbm>>, %arg6: memref<64x16384xf32, #tpu.memory_space<hbm>>, %arg7: memref<100000xf32, #tpu.memory_space<vmem>>, %arg8: memref<16384xi32, #tpu.memory_space<vmem>>, %arg9: memref<12288xf32, #tpu.memory_space<vmem>>, %arg10: memref<!tpu.dma_semaphore, #tpu.memory_space<semaphore_mem>>, %arg11: memref<!tpu.dma_semaphore, #tpu.memory_space<semaphore_mem>>) attributes {dimension_semantics = [#tpu.dimension_semantics<core_parallel>, #tpu.dimension_semantics<subcore_parallel>], iteration_bounds = array<i64: 2, 16>, scalar_prefetch = 0 : i64, scratch_operands = 5 : i64, tpu.core_type = #tpu.core_type<sc_vector_subcore>, window_params = [{transform_indices = #map}, {transform_indices = #map}, {transform_indices = #map1}, {transform_indices = #map}, {transform_indices = #map}]} {
    %mul3A = arith.constant 2 : i32
    %mul3A_0 = arith.muli %arg1, %mul3A : i32
    %add3A = arith.addi %mul3A_0, %arg0 : i32
    tpu.enqueue_dma source(%arg4 : memref<16384xi32, #tpu.memory_space<hbm>>) target(%arg8 : memref<16384xi32, #tpu.memory_space<vmem>>) target_semaphore(%arg10 : memref<!tpu.dma_semaphore, #tpu.memory_space<semaphore_mem>>)
    %mul3A_1 = arith.constant 2 : i32
    %mul3A_2 = arith.muli %add3A, %mul3A_1 : i32
    %add3A_3 = arith.constant 0 : i32
    %add3A_4 = arith.addi %mul3A_2, %add3A_3 : i32
    "tpu.region"() ({
      %run_scoped3A = tpu.sem_alloc : memref<!tpu.dma_semaphore, #tpu.memory_space<semaphore_mem>>
      %dma_start3A_290 = arith.constant 0 : i32
      %dma_start3A_291 = tpu.memref_slice %arg2[%add3A_4, %dma_start3A_290] : memref<64x100000xf32, #tpu.memory_space<hbm>> -> memref<1x100000xf32, #tpu.memory_space<hbm>>
      %dma_start3A_292 = tpu.memref_squeeze %dma_start3A_291 : memref<1x100000xf32, #tpu.memory_space<hbm>> -> memref<100000xf32, #tpu.memory_space<hbm>>
      %dma_start3A_293 = arith.constant 0 : i32
      %dma_start3A_294 = tpu.memref_slice %arg2[%add3A_4, %dma_start3A_293] : memref<64x100000xf32, #tpu.memory_space<hbm>> -> memref<1x100000xf32, #tpu.memory_space<hbm>>
      %dma_start3A_295 = tpu.memref_squeeze %dma_start3A_294 : memref<1x100000xf32, #tpu.memory_space<hbm>> -> memref<100000xf32, #tpu.memory_space<hbm>>
      tpu.enqueue_dma source(%dma_start3A_295 : memref<100000xf32, #tpu.memory_space<hbm>>) target(%arg7 : memref<100000xf32, #tpu.memory_space<vmem>>) target_semaphore(%run_scoped3A : memref<!tpu.dma_semaphore, #tpu.memory_space<semaphore_mem>>)
      %dma_wait3A_296 = arith.constant 0 : i32
      %dma_wait3A_297 = tpu.memref_slice %arg2[%add3A_4, %dma_wait3A_296] : memref<64x100000xf32, #tpu.memory_space<hbm>> -> memref<1x100000xf32, #tpu.memory_space<hbm>>
      %dma_wait3A_298 = tpu.memref_squeeze %dma_wait3A_297 : memref<1x100000xf32, #tpu.memory_space<hbm>> -> memref<100000xf32, #tpu.memory_space<hbm>>
      %dma_wait3A_299 = arith.constant 0 : i32
      %dma_wait3A_300 = tpu.memref_slice %arg2[%add3A_4, %dma_wait3A_299] : memref<64x100000xf32, #tpu.memory_space<hbm>> -> memref<1x100000xf32, #tpu.memory_space<hbm>>
      %dma_wait3A_301 = tpu.memref_squeeze %dma_wait3A_300 : memref<1x100000xf32, #tpu.memory_space<hbm>> -> memref<100000xf32, #tpu.memory_space<hbm>>
      tpu.wait_dma2 semaphore(%run_scoped3A : memref<!tpu.dma_semaphore, #tpu.memory_space<semaphore_mem>>) src(%dma_wait3A_301 : memref<100000xf32, #tpu.memory_space<hbm>>) dst(%arg7 : memref<100000xf32, #tpu.memory_space<vmem>>)
      tpu.yield
    }) : () -> ()
    tpu.wait_dma2 semaphore(%arg10 : memref<!tpu.dma_semaphore, #tpu.memory_space<semaphore_mem>>) src(%arg4 : memref<16384xi32, #tpu.memory_space<hbm>>) dst(%arg8 : memref<16384xi32, #tpu.memory_space<vmem>>)
    %parallel_loop3A = arith.constant 0 : i32
    %parallel_loop3A_5 = arith.constant 6144 : i32
    %parallel_loop3A_6 = arith.constant 16 : i32
    scf.for %parallel_loop3A_290 = %parallel_loop3A to %parallel_loop3A_5 step %parallel_loop3A_6  : i32 {
      %parallel_loop3A_291 = arith.constant 0 : i32
      %parallel_loop3A_292 = arith.addi %parallel_loop3A_291, %parallel_loop3A_290 : i32
      %parallel_loop3A_293 = arith.index_cast %parallel_loop3A_292 : i32 to index
      %parallel_loop3A_294 = tpu.vector_load %arg8[%parallel_loop3A_293] {strides = array<i32>} : memref<16384xi32, #tpu.memory_space<vmem>>, vector<16xi32>,
      %parallel_loop3A_295 = tpu.vector_load_idx %arg7[%parallel_loop3A_294] : memref<100000xf32, #tpu.memory_space<vmem>>[vector<16xi32>], vector<16xf32>,
      %parallel_loop3A_296 = arith.constant 0 : i32
      %parallel_loop3A_297 = arith.addi %parallel_loop3A_296, %parallel_loop3A_290 : i32
      %parallel_loop3A_298 = arith.index_cast %parallel_loop3A_297 : i32 to index
      %parallel_loop3A_299 = tpu.vector_load %arg9[%parallel_loop3A_298] {strides = array<i32>} : memref<12288xf32, #tpu.memory_space<vmem>>, vector<16xf32>,
      tpu.vector_store %arg9[%parallel_loop3A_298], %parallel_loop3A_295 {strides = array<i32>} : memref<12288xf32, #tpu.memory_space<vmem>>, vector<16xf32>,
    } {sc.loop_unroll_factor = 8 : i64, sc.parallel_access}
    %dma_start3A = arith.constant 0 : i32
    %dma_start3A_7 = tpu.memref_slice %arg9[%dma_start3A] : memref<12288xf32, #tpu.memory_space<vmem>> -> memref<6144xf32, #tpu.memory_space<vmem>>
    %dma_start3A_8 = arith.constant 0 : i32
    %dma_start3A_9 = tpu.memref_slice %arg5[%add3A_4, %dma_start3A_8] : memref<64x16384xf32, #tpu.memory_space<hbm>> -> memref<1x6144xf32, #tpu.memory_space<hbm>>
    %dma_start3A_10 = tpu.memref_squeeze %dma_start3A_9 : memref<1x6144xf32, #tpu.memory_space<hbm>> -> memref<6144xf32, #tpu.memory_space<hbm>>
    %dma_start3A_11 = arith.constant 0 : i32
    %dma_start3A_12 = tpu.memref_slice %arg5[%add3A_4, %dma_start3A_11] : memref<64x16384xf32, #tpu.memory_space<hbm>> -> memref<1x6144xf32, #tpu.memory_space<hbm>>
    %dma_start3A_13 = tpu.memref_squeeze %dma_start3A_12 : memref<1x6144xf32, #tpu.memory_space<hbm>> -> memref<6144xf32, #tpu.memory_space<hbm>>
    %dma_start3A_14 = arith.constant 0 : i32
    %dma_start3A_15 = tpu.memref_slice %arg9[%dma_start3A_14] : memref<12288xf32, #tpu.memory_space<vmem>> -> memref<6144xf32, #tpu.memory_space<vmem>>
    tpu.enqueue_dma source(%dma_start3A_15 : memref<6144xf32, #tpu.memory_space<vmem>>) target(%dma_start3A_13 : memref<6144xf32, #tpu.memory_space<hbm>>) target_semaphore(%arg11 : memref<!tpu.dma_semaphore, #tpu.memory_space<semaphore_mem>>)
    %parallel_loop3A_16 = arith.constant 0 : i32
    %parallel_loop3A_17 = arith.constant 6144 : i32
    %parallel_loop3A_18 = arith.constant 16 : i32
    scf.for %parallel_loop3A_290 = %parallel_loop3A_16 to %parallel_loop3A_17 step %parallel_loop3A_18  : i32 {
      %parallel_loop3A_291 = arith.constant 6144 : i32
      %parallel_loop3A_292 = arith.addi %parallel_loop3A_291, %parallel_loop3A_290 : i32
      %parallel_loop3A_293 = arith.index_cast %parallel_loop3A_292 : i32 to index
      %parallel_loop3A_294 = tpu.vector_load %arg8[%parallel_loop3A_293] {strides = array<i32>} : memref<16384xi32, #tpu.memory_space<vmem>>, vector<16xi32>,
      %parallel_loop3A_295 = tpu.vector_load_idx %arg7[%parallel_loop3A_294] : memref<100000xf32, #tpu.memory_space<vmem>>[vector<16xi32>], vector<16xf32>,
      %parallel_loop3A_296 = arith.constant 6144 : i32
      %parallel_loop3A_297 = arith.addi %parallel_loop3A_296, %parallel_loop3A_290 : i32
      %parallel_loop3A_298 = arith.index_cast %parallel_loop3A_297 : i32 to index
      %parallel_loop3A_299 = tpu.vector_load %arg9[%parallel_loop3A_298] {strides = array<i32>} : memref<12288xf32, #tpu.memory_space<vmem>>, vector<16xf32>,
      tpu.vector_store %arg9[%parallel_loop3A_298], %parallel_loop3A_295 {strides = array<i32>} : memref<12288xf32, #tpu.memory_space<vmem>>, vector<16xf32>,
    } {sc.loop_unroll_factor = 8 : i64, sc.parallel_access}
    %dma_start3A_19 = arith.constant 6144 : i32
    %dma_start3A_20 = tpu.memref_slice %arg9[%dma_start3A_19] : memref<12288xf32, #tpu.memory_space<vmem>> -> memref<6144xf32, #tpu.memory_space<vmem>>
    %dma_start3A_21 = arith.constant 6144 : i32
    %dma_start3A_22 = tpu.memref_slice %arg5[%add3A_4, %dma_start3A_21] : memref<64x16384xf32, #tpu.memory_space<hbm>> -> memref<1x6144xf32, #tpu.memory_space<hbm>>
    %dma_start3A_23 = tpu.memref_squeeze %dma_start3A_22 : memref<1x6144xf32, #tpu.memory_space<hbm>> -> memref<6144xf32, #tpu.memory_space<hbm>>
    %dma_start3A_24 = arith.constant 6144 : i32
    %dma_start3A_25 = tpu.memref_slice %arg5[%add3A_4, %dma_start3A_24] : memref<64x16384xf32, #tpu.memory_space<hbm>> -> memref<1x6144xf32, #tpu.memory_space<hbm>>
    %dma_start3A_26 = tpu.memref_squeeze %dma_start3A_25 : memref<1x6144xf32, #tpu.memory_space<hbm>> -> memref<6144xf32, #tpu.memory_space<hbm>>
    %dma_start3A_27 = arith.constant 6144 : i32
    %dma_start3A_28 = tpu.memref_slice %arg9[%dma_start3A_27] : memref<12288xf32, #tpu.memory_space<vmem>> -> memref<6144xf32, #tpu.memory_space<vmem>>
    tpu.enqueue_dma source(%dma_start3A_28 : memref<6144xf32, #tpu.memory_space<vmem>>) target(%dma_start3A_26 : memref<6144xf32, #tpu.memory_space<hbm>>) target_semaphore(%arg11 : memref<!tpu.dma_semaphore, #tpu.memory_space<semaphore_mem>>)
    %dma_wait3A = arith.constant 0 : i32
    %dma_wait3A_29 = tpu.memref_slice %arg9[%dma_wait3A] : memref<12288xf32, #tpu.memory_space<vmem>> -> memref<6144xf32, #tpu.memory_space<vmem>>
    %dma_wait3A_30 = arith.constant 0 : i32
    %dma_wait3A_31 = tpu.memref_slice %arg5[%add3A_4, %dma_wait3A_30] : memref<64x16384xf32, #tpu.memory_space<hbm>> -> memref<1x6144xf32, #tpu.memory_space<hbm>>
    %dma_wait3A_32 = tpu.memref_squeeze %dma_wait3A_31 : memref<1x6144xf32, #tpu.memory_space<hbm>> -> memref<6144xf32, #tpu.memory_space<hbm>>
    %dma_wait3A_33 = arith.constant 0 : i32
    %dma_wait3A_34 = tpu.memref_slice %arg5[%add3A_4, %dma_wait3A_33] : memref<64x16384xf32, #tpu.memory_space<hbm>> -> memref<1x6144xf32, #tpu.memory_space<hbm>>
    %dma_wait3A_35 = tpu.memref_squeeze %dma_wait3A_34 : memref<1x6144xf32, #tpu.memory_space<hbm>> -> memref<6144xf32, #tpu.memory_space<hbm>>
    %dma_wait3A_36 = arith.constant 0 : i32
    %dma_wait3A_37 = tpu.memref_slice %arg9[%dma_wait3A_36] : memref<12288xf32, #tpu.memory_space<vmem>> -> memref<6144xf32, #tpu.memory_space<vmem>>
    tpu.wait_dma2 semaphore(%arg11 : memref<!tpu.dma_semaphore, #tpu.memory_space<semaphore_mem>>) src(%dma_wait3A_37 : memref<6144xf32, #tpu.memory_space<vmem>>) dst(%dma_wait3A_35 : memref<6144xf32, #tpu.memory_space<hbm>>)
    %parallel_loop3A_38 = arith.constant 0 : i32
    %parallel_loop3A_39 = arith.constant 4096 : i32
    %parallel_loop3A_40 = arith.constant 16 : i32
    scf.for %parallel_loop3A_290 = %parallel_loop3A_38 to %parallel_loop3A_39 step %parallel_loop3A_40  : i32 {
      %parallel_loop3A_291 = arith.constant 12288 : i32
      %parallel_loop3A_292 = arith.addi %parallel_loop3A_291, %parallel_loop3A_290 : i32
      %parallel_loop3A_293 = arith.index_cast %parallel_loop3A_292 : i32 to index
      %parallel_loop3A_294 = tpu.vector_load %arg8[%parallel_loop3A_293] {strides = array<i32>} : memref<16384xi32, #tpu.memory_space<vmem>>, vector<16xi32>,
      %parallel_loop3A_295 = tpu.vector_load_idx %arg7[%parallel_loop3A_294] : memref<100000xf32, #tpu.memory_space<vmem>>[vector<16xi32>], vector<16xf32>,
      %parallel_loop3A_296 = arith.constant 0 : i32
      %parallel_loop3A_297 = arith.addi %parallel_loop3A_296, %parallel_loop3A_290 : i32
      %parallel_loop3A_298 = arith.index_cast %parallel_loop3A_297 : i32 to index
      %parallel_loop3A_299 = tpu.vector_load %arg9[%parallel_loop3A_298] {strides = array<i32>} : memref<12288xf32, #tpu.memory_space<vmem>>, vector<16xf32>,
      tpu.vector_store %arg9[%parallel_loop3A_298], %parallel_loop3A_295 {strides = array<i32>} : memref<12288xf32, #tpu.memory_space<vmem>>, vector<16xf32>,
    } {sc.loop_unroll_factor = 8 : i64, sc.parallel_access}
    %dma_start3A_41 = arith.constant 0 : i32
    %dma_start3A_42 = tpu.memref_slice %arg9[%dma_start3A_41] : memref<12288xf32, #tpu.memory_space<vmem>> -> memref<4096xf32, #tpu.memory_space<vmem>>
    %dma_start3A_43 = arith.constant 12288 : i32
    %dma_start3A_44 = tpu.memref_slice %arg5[%add3A_4, %dma_start3A_43] : memref<64x16384xf32, #tpu.memory_space<hbm>> -> memref<1x4096xf32, #tpu.memory_space<hbm>>
    %dma_start3A_45 = tpu.memref_squeeze %dma_start3A_44 : memref<1x4096xf32, #tpu.memory_space<hbm>> -> memref<4096xf32, #tpu.memory_space<hbm>>
    %dma_start3A_46 = arith.constant 12288 : i32
    %dma_start3A_47 = tpu.memref_slice %arg5[%add3A_4, %dma_start3A_46] : memref<64x16384xf32, #tpu.memory_space<hbm>> -> memref<1x4096xf32, #tpu.memory_space<hbm>>
    %dma_start3A_48 = tpu.memref_squeeze %dma_start3A_47 : memref<1x4096xf32, #tpu.memory_space<hbm>> -> memref<4096xf32, #tpu.memory_space<hbm>>
    %dma_start3A_49 = arith.constant 0 : i32
    %dma_start3A_50 = tpu.memref_slice %arg9[%dma_start3A_49] : memref<12288xf32, #tpu.memory_space<vmem>> -> memref<4096xf32, #tpu.memory_space<vmem>>
    tpu.enqueue_dma source(%dma_start3A_50 : memref<4096xf32, #tpu.memory_space<vmem>>) target(%dma_start3A_48 : memref<4096xf32, #tpu.memory_space<hbm>>) target_semaphore(%arg11 : memref<!tpu.dma_semaphore, #tpu.memory_space<semaphore_mem>>)
    %mul3A_51 = arith.constant 2 : i32
    %mul3A_52 = arith.muli %add3A, %mul3A_51 : i32
    %add3A_53 = arith.constant 1 : i32
    %add3A_54 = arith.addi %mul3A_52, %add3A_53 : i32
    "tpu.region"() ({
      %run_scoped3A = tpu.sem_alloc : memref<!tpu.dma_semaphore, #tpu.memory_space<semaphore_mem>>
      %dma_start3A_290 = arith.constant 0 : i32
      %dma_start3A_291 = tpu.memref_slice %arg2[%add3A_54, %dma_start3A_290] : memref<64x100000xf32, #tpu.memory_space<hbm>> -> memref<1x100000xf32, #tpu.memory_space<hbm>>
      %dma_start3A_292 = tpu.memref_squeeze %dma_start3A_291 : memref<1x100000xf32, #tpu.memory_space<hbm>> -> memref<100000xf32, #tpu.memory_space<hbm>>
      %dma_start3A_293 = arith.constant 0 : i32
      %dma_start3A_294 = tpu.memref_slice %arg2[%add3A_54, %dma_start3A_293] : memref<64x100000xf32, #tpu.memory_space<hbm>> -> memref<1x100000xf32, #tpu.memory_space<hbm>>
      %dma_start3A_295 = tpu.memref_squeeze %dma_start3A_294 : memref<1x100000xf32, #tpu.memory_space<hbm>> -> memref<100000xf32, #tpu.memory_space<hbm>>
      tpu.enqueue_dma source(%dma_start3A_295 : memref<100000xf32, #tpu.memory_space<hbm>>) target(%arg7 : memref<100000xf32, #tpu.memory_space<vmem>>) target_semaphore(%run_scoped3A : memref<!tpu.dma_semaphore, #tpu.memory_space<semaphore_mem>>)
      %dma_wait3A_296 = arith.constant 0 : i32
      %dma_wait3A_297 = tpu.memref_slice %arg2[%add3A_54, %dma_wait3A_296] : memref<64x100000xf32, #tpu.memory_space<hbm>> -> memref<1x100000xf32, #tpu.memory_space<hbm>>
      %dma_wait3A_298 = tpu.memref_squeeze %dma_wait3A_297 : memref<1x100000xf32, #tpu.memory_space<hbm>> -> memref<100000xf32, #tpu.memory_space<hbm>>
      %dma_wait3A_299 = arith.constant 0 : i32
      %dma_wait3A_300 = tpu.memref_slice %arg2[%add3A_54, %dma_wait3A_299] : memref<64x100000xf32, #tpu.memory_space<hbm>> -> memref<1x100000xf32, #tpu.memory_space<hbm>>
      %dma_wait3A_301 = tpu.memref_squeeze %dma_wait3A_300 : memref<1x100000xf32, #tpu.memory_space<hbm>> -> memref<100000xf32, #tpu.memory_space<hbm>>
      tpu.wait_dma2 semaphore(%run_scoped3A : memref<!tpu.dma_semaphore, #tpu.memory_space<semaphore_mem>>) src(%dma_wait3A_301 : memref<100000xf32, #tpu.memory_space<hbm>>) dst(%arg7 : memref<100000xf32, #tpu.memory_space<vmem>>)
      tpu.yield
    }) : () -> ()
    %dma_wait3A_55 = arith.constant 6144 : i32
    %dma_wait3A_56 = tpu.memref_slice %arg9[%dma_wait3A_55] : memref<12288xf32, #tpu.memory_space<vmem>> -> memref<6144xf32, #tpu.memory_space<vmem>>
    %dma_wait3A_57 = arith.constant 6144 : i32
    %dma_wait3A_58 = tpu.memref_slice %arg5[%add3A_4, %dma_wait3A_57] : memref<64x16384xf32, #tpu.memory_space<hbm>> -> memref<1x6144xf32, #tpu.memory_space<hbm>>
    %dma_wait3A_59 = tpu.memref_squeeze %dma_wait3A_58 : memref<1x6144xf32, #tpu.memory_space<hbm>> -> memref<6144xf32, #tpu.memory_space<hbm>>
    %dma_wait3A_60 = arith.constant 6144 : i32
    %dma_wait3A_61 = tpu.memref_slice %arg5[%add3A_4, %dma_wait3A_60] : memref<64x16384xf32, #tpu.memory_space<hbm>> -> memref<1x6144xf32, #tpu.memory_space<hbm>>
    %dma_wait3A_62 = tpu.memref_squeeze %dma_wait3A_61 : memref<1x6144xf32, #tpu.memory_space<hbm>> -> memref<6144xf32, #tpu.memory_space<hbm>>
    %dma_wait3A_63 = arith.constant 6144 : i32
    %dma_wait3A_64 = tpu.memref_slice %arg9[%dma_wait3A_63] : memref<12288xf32, #tpu.memory_space<vmem>> -> memref<6144xf32, #tpu.memory_space<vmem>>
    tpu.wait_dma2 semaphore(%arg11 : memref<!tpu.dma_semaphore, #tpu.memory_space<semaphore_mem>>) src(%dma_wait3A_64 : memref<6144xf32, #tpu.memory_space<vmem>>) dst(%dma_wait3A_62 : memref<6144xf32, #tpu.memory_space<hbm>>)
    %parallel_loop3A_65 = arith.constant 0 : i32
    %parallel_loop3A_66 = arith.constant 6144 : i32
    %parallel_loop3A_67 = arith.constant 16 : i32
    scf.for %parallel_loop3A_290 = %parallel_loop3A_65 to %parallel_loop3A_66 step %parallel_loop3A_67  : i32 {
      %parallel_loop3A_291 = arith.constant 0 : i32
      %parallel_loop3A_292 = arith.addi %parallel_loop3A_291, %parallel_loop3A_290 : i32
      %parallel_loop3A_293 = arith.index_cast %parallel_loop3A_292 : i32 to index
      %parallel_loop3A_294 = tpu.vector_load %arg8[%parallel_loop3A_293] {strides = array<i32>} : memref<16384xi32, #tpu.memory_space<vmem>>, vector<16xi32>,
      %parallel_loop3A_295 = tpu.vector_load_idx %arg7[%parallel_loop3A_294] : memref<100000xf32, #tpu.memory_space<vmem>>[vector<16xi32>], vector<16xf32>,
      %parallel_loop3A_296 = arith.constant 6144 : i32
      %parallel_loop3A_297 = arith.addi %parallel_loop3A_296, %parallel_loop3A_290 : i32
      %parallel_loop3A_298 = arith.index_cast %parallel_loop3A_297 : i32 to index
      %parallel_loop3A_299 = tpu.vector_load %arg9[%parallel_loop3A_298] {strides = array<i32>} : memref<12288xf32, #tpu.memory_space<vmem>>, vector<16xf32>,
      tpu.vector_store %arg9[%parallel_loop3A_298], %parallel_loop3A_295 {strides = array<i32>} : memref<12288xf32, #tpu.memory_space<vmem>>, vector<16xf32>,
    } {sc.loop_unroll_factor = 8 : i64, sc.parallel_access}
    %dma_start3A_68 = arith.constant 6144 : i32
    %dma_start3A_69 = tpu.memref_slice %arg9[%dma_start3A_68] : memref<12288xf32, #tpu.memory_space<vmem>> -> memref<6144xf32, #tpu.memory_space<vmem>>
    %dma_start3A_70 = arith.constant 0 : i32
    %dma_start3A_71 = tpu.memref_slice %arg5[%add3A_54, %dma_start3A_70] : memref<64x16384xf32, #tpu.memory_space<hbm>> -> memref<1x6144xf32, #tpu.memory_space<hbm>>
    %dma_start3A_72 = tpu.memref_squeeze %dma_start3A_71 : memref<1x6144xf32, #tpu.memory_space<hbm>> -> memref<6144xf32, #tpu.memory_space<hbm>>
    %dma_start3A_73 = arith.constant 0 : i32
    %dma_start3A_74 = tpu.memref_slice %arg5[%add3A_54, %dma_start3A_73] : memref<64x16384xf32, #tpu.memory_space<hbm>> -> memref<1x6144xf32, #tpu.memory_space<hbm>>
    %dma_start3A_75 = tpu.memref_squeeze %dma_start3A_74 : memref<1x6144xf32, #tpu.memory_space<hbm>> -> memref<6144xf32, #tpu.memory_space<hbm>>
    %dma_start3A_76 = arith.constant 6144 : i32
    %dma_start3A_77 = tpu.memref_slice %arg9[%dma_start3A_76] : memref<12288xf32, #tpu.memory_space<vmem>> -> memref<6144xf32, #tpu.memory_space<vmem>>
    tpu.enqueue_dma source(%dma_start3A_77 : memref<6144xf32, #tpu.memory_space<vmem>>) target(%dma_start3A_75 : memref<6144xf32, #tpu.memory_space<hbm>>) target_semaphore(%arg11 : memref<!tpu.dma_semaphore, #tpu.memory_space<semaphore_mem>>)
    %dma_wait3A_78 = arith.constant 0 : i32
    %dma_wait3A_79 = tpu.memref_slice %arg9[%dma_wait3A_78] : memref<12288xf32, #tpu.memory_space<vmem>> -> memref<4096xf32, #tpu.memory_space<vmem>>
    %dma_wait3A_80 = arith.constant 12288 : i32
    %dma_wait3A_81 = tpu.memref_slice %arg5[%add3A_4, %dma_wait3A_80] : memref<64x16384xf32, #tpu.memory_space<hbm>> -> memref<1x4096xf32, #tpu.memory_space<hbm>>
    %dma_wait3A_82 = tpu.memref_squeeze %dma_wait3A_81 : memref<1x4096xf32, #tpu.memory_space<hbm>> -> memref<4096xf32, #tpu.memory_space<hbm>>
    %dma_wait3A_83 = arith.constant 12288 : i32
    %dma_wait3A_84 = tpu.memref_slice %arg5[%add3A_4, %dma_wait3A_83] : memref<64x16384xf32, #tpu.memory_space<hbm>> -> memref<1x4096xf32, #tpu.memory_space<hbm>>
    %dma_wait3A_85 = tpu.memref_squeeze %dma_wait3A_84 : memref<1x4096xf32, #tpu.memory_space<hbm>> -> memref<4096xf32, #tpu.memory_space<hbm>>
    %dma_wait3A_86 = arith.constant 0 : i32
    %dma_wait3A_87 = tpu.memref_slice %arg9[%dma_wait3A_86] : memref<12288xf32, #tpu.memory_space<vmem>> -> memref<4096xf32, #tpu.memory_space<vmem>>
    tpu.wait_dma2 semaphore(%arg11 : memref<!tpu.dma_semaphore, #tpu.memory_space<semaphore_mem>>) src(%dma_wait3A_87 : memref<4096xf32, #tpu.memory_space<vmem>>) dst(%dma_wait3A_85 : memref<4096xf32, #tpu.memory_space<hbm>>)
    %parallel_loop3A_88 = arith.constant 0 : i32
    %parallel_loop3A_89 = arith.constant 6144 : i32
    %parallel_loop3A_90 = arith.constant 16 : i32
    scf.for %parallel_loop3A_290 = %parallel_loop3A_88 to %parallel_loop3A_89 step %parallel_loop3A_90  : i32 {
      %parallel_loop3A_291 = arith.constant 6144 : i32
      %parallel_loop3A_292 = arith.addi %parallel_loop3A_291, %parallel_loop3A_290 : i32
      %parallel_loop3A_293 = arith.index_cast %parallel_loop3A_292 : i32 to index
      %parallel_loop3A_294 = tpu.vector_load %arg8[%parallel_loop3A_293] {strides = array<i32>} : memref<16384xi32, #tpu.memory_space<vmem>>, vector<16xi32>,
      %parallel_loop3A_295 = tpu.vector_load_idx %arg7[%parallel_loop3A_294] : memref<100000xf32, #tpu.memory_space<vmem>>[vector<16xi32>], vector<16xf32>,
      %parallel_loop3A_296 = arith.constant 0 : i32
      %parallel_loop3A_297 = arith.addi %parallel_loop3A_296, %parallel_loop3A_290 : i32
      %parallel_loop3A_298 = arith.index_cast %parallel_loop3A_297 : i32 to index
      %parallel_loop3A_299 = tpu.vector_load %arg9[%parallel_loop3A_298] {strides = array<i32>} : memref<12288xf32, #tpu.memory_space<vmem>>, vector<16xf32>,
      tpu.vector_store %arg9[%parallel_loop3A_298], %parallel_loop3A_295 {strides = array<i32>} : memref<12288xf32, #tpu.memory_space<vmem>>, vector<16xf32>,
    } {sc.loop_unroll_factor = 8 : i64, sc.parallel_access}
    %dma_start3A_91 = arith.constant 0 : i32
    %dma_start3A_92 = tpu.memref_slice %arg9[%dma_start3A_91] : memref<12288xf32, #tpu.memory_space<vmem>> -> memref<6144xf32, #tpu.memory_space<vmem>>
    %dma_start3A_93 = arith.constant 6144 : i32
    %dma_start3A_94 = tpu.memref_slice %arg5[%add3A_54, %dma_start3A_93] : memref<64x16384xf32, #tpu.memory_space<hbm>> -> memref<1x6144xf32, #tpu.memory_space<hbm>>
    %dma_start3A_95 = tpu.memref_squeeze %dma_start3A_94 : memref<1x6144xf32, #tpu.memory_space<hbm>> -> memref<6144xf32, #tpu.memory_space<hbm>>
    %dma_start3A_96 = arith.constant 6144 : i32
    %dma_start3A_97 = tpu.memref_slice %arg5[%add3A_54, %dma_start3A_96] : memref<64x16384xf32, #tpu.memory_space<hbm>> -> memref<1x6144xf32, #tpu.memory_space<hbm>>
    %dma_start3A_98 = tpu.memref_squeeze %dma_start3A_97 : memref<1x6144xf32, #tpu.memory_space<hbm>> -> memref<6144xf32, #tpu.memory_space<hbm>>
    %dma_start3A_99 = arith.constant 0 : i32
    %dma_start3A_100 = tpu.memref_slice %arg9[%dma_start3A_99] : memref<12288xf32, #tpu.memory_space<vmem>> -> memref<6144xf32, #tpu.memory_space<vmem>>
    tpu.enqueue_dma source(%dma_start3A_100 : memref<6144xf32, #tpu.memory_space<vmem>>) target(%dma_start3A_98 : memref<6144xf32, #tpu.memory_space<hbm>>) target_semaphore(%arg11 : memref<!tpu.dma_semaphore, #tpu.memory_space<semaphore_mem>>)
    %dma_wait3A_101 = arith.constant 6144 : i32
    %dma_wait3A_102 = tpu.memref_slice %arg9[%dma_wait3A_101] : memref<12288xf32, #tpu.memory_space<vmem>> -> memref<6144xf32, #tpu.memory_space<vmem>>
    %dma_wait3A_103 = arith.constant 0 : i32
    %dma_wait3A_104 = tpu.memref_slice %arg5[%add3A_54, %dma_wait3A_103] : memref<64x16384xf32, #tpu.memory_space<hbm>> -> memref<1x6144xf32, #tpu.memory_space<hbm>>
    %dma_wait3A_105 = tpu.memref_squeeze %dma_wait3A_104 : memref<1x6144xf32, #tpu.memory_space<hbm>> -> memref<6144xf32, #tpu.memory_space<hbm>>
    %dma_wait3A_106 = arith.constant 0 : i32
    %dma_wait3A_107 = tpu.memref_slice %arg5[%add3A_54, %dma_wait3A_106] : memref<64x16384xf32, #tpu.memory_space<hbm>> -> memref<1x6144xf32, #tpu.memory_space<hbm>>
    %dma_wait3A_108 = tpu.memref_squeeze %dma_wait3A_107 : memref<1x6144xf32, #tpu.memory_space<hbm>> -> memref<6144xf32, #tpu.memory_space<hbm>>
    %dma_wait3A_109 = arith.constant 6144 : i32
    %dma_wait3A_110 = tpu.memref_slice %arg9[%dma_wait3A_109] : memref<12288xf32, #tpu.memory_space<vmem>> -> memref<6144xf32, #tpu.memory_space<vmem>>
    tpu.wait_dma2 semaphore(%arg11 : memref<!tpu.dma_semaphore, #tpu.memory_space<semaphore_mem>>) src(%dma_wait3A_110 : memref<6144xf32, #tpu.memory_space<vmem>>) dst(%dma_wait3A_108 : memref<6144xf32, #tpu.memory_space<hbm>>)
    %parallel_loop3A_111 = arith.constant 0 : i32
    %parallel_loop3A_112 = arith.constant 4096 : i32
    %parallel_loop3A_113 = arith.constant 16 : i32
    scf.for %parallel_loop3A_290 = %parallel_loop3A_111 to %parallel_loop3A_112 step %parallel_loop3A_113  : i32 {
      %parallel_loop3A_291 = arith.constant 12288 : i32
      %parallel_loop3A_292 = arith.addi %parallel_loop3A_291, %parallel_loop3A_290 : i32
      %parallel_loop3A_293 = arith.index_cast %parallel_loop3A_292 : i32 to index
      %parallel_loop3A_294 = tpu.vector_load %arg8[%parallel_loop3A_293] {strides = array<i32>} : memref<16384xi32, #tpu.memory_space<vmem>>, vector<16xi32>,
      %parallel_loop3A_295 = tpu.vector_load_idx %arg7[%parallel_loop3A_294] : memref<100000xf32, #tpu.memory_space<vmem>>[vector<16xi32>], vector<16xf32>,
      %parallel_loop3A_296 = arith.constant 6144 : i32
      %parallel_loop3A_297 = arith.addi %parallel_loop3A_296, %parallel_loop3A_290 : i32
      %parallel_loop3A_298 = arith.index_cast %parallel_loop3A_297 : i32 to index
      %parallel_loop3A_299 = tpu.vector_load %arg9[%parallel_loop3A_298] {strides = array<i32>} : memref<12288xf32, #tpu.memory_space<vmem>>, vector<16xf32>,
      tpu.vector_store %arg9[%parallel_loop3A_298], %parallel_loop3A_295 {strides = array<i32>} : memref<12288xf32, #tpu.memory_space<vmem>>, vector<16xf32>,
    } {sc.loop_unroll_factor = 8 : i64, sc.parallel_access}
    %dma_start3A_114 = arith.constant 6144 : i32
    %dma_start3A_115 = tpu.memref_slice %arg9[%dma_start3A_114] : memref<12288xf32, #tpu.memory_space<vmem>> -> memref<4096xf32, #tpu.memory_space<vmem>>
    %dma_start3A_116 = arith.constant 12288 : i32
    %dma_start3A_117 = tpu.memref_slice %arg5[%add3A_54, %dma_start3A_116] : memref<64x16384xf32, #tpu.memory_space<hbm>> -> memref<1x4096xf32, #tpu.memory_space<hbm>>
    %dma_start3A_118 = tpu.memref_squeeze %dma_start3A_117 : memref<1x4096xf32, #tpu.memory_space<hbm>> -> memref<4096xf32, #tpu.memory_space<hbm>>
    %dma_start3A_119 = arith.constant 12288 : i32
    %dma_start3A_120 = tpu.memref_slice %arg5[%add3A_54, %dma_start3A_119] : memref<64x16384xf32, #tpu.memory_space<hbm>> -> memref<1x4096xf32, #tpu.memory_space<hbm>>
    %dma_start3A_121 = tpu.memref_squeeze %dma_start3A_120 : memref<1x4096xf32, #tpu.memory_space<hbm>> -> memref<4096xf32, #tpu.memory_space<hbm>>
    %dma_start3A_122 = arith.constant 6144 : i32
    %dma_start3A_123 = tpu.memref_slice %arg9[%dma_start3A_122] : memref<12288xf32, #tpu.memory_space<vmem>> -> memref<4096xf32, #tpu.memory_space<vmem>>
    tpu.enqueue_dma source(%dma_start3A_123 : memref<4096xf32, #tpu.memory_space<vmem>>) target(%dma_start3A_121 : memref<4096xf32, #tpu.memory_space<hbm>>) target_semaphore(%arg11 : memref<!tpu.dma_semaphore, #tpu.memory_space<semaphore_mem>>)
    %mul3A_124 = arith.constant 2 : i32
    %mul3A_125 = arith.muli %add3A, %mul3A_124 : i32
    %add3A_126 = arith.constant 0 : i32
    %add3A_127 = arith.addi %mul3A_125, %add3A_126 : i32
    "tpu.region"() ({
      %run_scoped3A = tpu.sem_alloc : memref<!tpu.dma_semaphore, #tpu.memory_space<semaphore_mem>>
      %dma_start3A_290 = arith.constant 0 : i32
      %dma_start3A_291 = tpu.memref_slice %arg3[%add3A_127, %dma_start3A_290] : memref<64x100000xf32, #tpu.memory_space<hbm>> -> memref<1x100000xf32, #tpu.memory_space<hbm>>
      %dma_start3A_292 = tpu.memref_squeeze %dma_start3A_291 : memref<1x100000xf32, #tpu.memory_space<hbm>> -> memref<100000xf32, #tpu.memory_space<hbm>>
      %dma_start3A_293 = arith.constant 0 : i32
      %dma_start3A_294 = tpu.memref_slice %arg3[%add3A_127, %dma_start3A_293] : memref<64x100000xf32, #tpu.memory_space<hbm>> -> memref<1x100000xf32, #tpu.memory_space<hbm>>
      %dma_start3A_295 = tpu.memref_squeeze %dma_start3A_294 : memref<1x100000xf32, #tpu.memory_space<hbm>> -> memref<100000xf32, #tpu.memory_space<hbm>>
      tpu.enqueue_dma source(%dma_start3A_295 : memref<100000xf32, #tpu.memory_space<hbm>>) target(%arg7 : memref<100000xf32, #tpu.memory_space<vmem>>) target_semaphore(%run_scoped3A : memref<!tpu.dma_semaphore, #tpu.memory_space<semaphore_mem>>)
      %dma_wait3A_296 = arith.constant 0 : i32
      %dma_wait3A_297 = tpu.memref_slice %arg3[%add3A_127, %dma_wait3A_296] : memref<64x100000xf32, #tpu.memory_space<hbm>> -> memref<1x100000xf32, #tpu.memory_space<hbm>>
      %dma_wait3A_298 = tpu.memref_squeeze %dma_wait3A_297 : memref<1x100000xf32, #tpu.memory_space<hbm>> -> memref<100000xf32, #tpu.memory_space<hbm>>
      %dma_wait3A_299 = arith.constant 0 : i32
      %dma_wait3A_300 = tpu.memref_slice %arg3[%add3A_127, %dma_wait3A_299] : memref<64x100000xf32, #tpu.memory_space<hbm>> -> memref<1x100000xf32, #tpu.memory_space<hbm>>
      %dma_wait3A_301 = tpu.memref_squeeze %dma_wait3A_300 : memref<1x100000xf32, #tpu.memory_space<hbm>> -> memref<100000xf32, #tpu.memory_space<hbm>>
      tpu.wait_dma2 semaphore(%run_scoped3A : memref<!tpu.dma_semaphore, #tpu.memory_space<semaphore_mem>>) src(%dma_wait3A_301 : memref<100000xf32, #tpu.memory_space<hbm>>) dst(%arg7 : memref<100000xf32, #tpu.memory_space<vmem>>)
      tpu.yield
    }) : () -> ()
    %dma_wait3A_128 = arith.constant 0 : i32
    %dma_wait3A_129 = tpu.memref_slice %arg9[%dma_wait3A_128] : memref<12288xf32, #tpu.memory_space<vmem>> -> memref<6144xf32, #tpu.memory_space<vmem>>
    %dma_wait3A_130 = arith.constant 6144 : i32
    %dma_wait3A_131 = tpu.memref_slice %arg5[%add3A_54, %dma_wait3A_130] : memref<64x16384xf32, #tpu.memory_space<hbm>> -> memref<1x6144xf32, #tpu.memory_space<hbm>>
    %dma_wait3A_132 = tpu.memref_squeeze %dma_wait3A_131 : memref<1x6144xf32, #tpu.memory_space<hbm>> -> memref<6144xf32, #tpu.memory_space<hbm>>
    %dma_wait3A_133 = arith.constant 6144 : i32
    %dma_wait3A_134 = tpu.memref_slice %arg5[%add3A_54, %dma_wait3A_133] : memref<64x16384xf32, #tpu.memory_space<hbm>> -> memref<1x6144xf32, #tpu.memory_space<hbm>>
    %dma_wait3A_135 = tpu.memref_squeeze %dma_wait3A_134 : memref<1x6144xf32, #tpu.memory_space<hbm>> -> memref<6144xf32, #tpu.memory_space<hbm>>
    %dma_wait3A_136 = arith.constant 0 : i32
    %dma_wait3A_137 = tpu.memref_slice %arg9[%dma_wait3A_136] : memref<12288xf32, #tpu.memory_space<vmem>> -> memref<6144xf32, #tpu.memory_space<vmem>>
    tpu.wait_dma2 semaphore(%arg11 : memref<!tpu.dma_semaphore, #tpu.memory_space<semaphore_mem>>) src(%dma_wait3A_137 : memref<6144xf32, #tpu.memory_space<vmem>>) dst(%dma_wait3A_135 : memref<6144xf32, #tpu.memory_space<hbm>>)
    %parallel_loop3A_138 = arith.constant 0 : i32
    %parallel_loop3A_139 = arith.constant 6144 : i32
    %parallel_loop3A_140 = arith.constant 16 : i32
    scf.for %parallel_loop3A_290 = %parallel_loop3A_138 to %parallel_loop3A_139 step %parallel_loop3A_140  : i32 {
      %parallel_loop3A_291 = arith.constant 0 : i32
      %parallel_loop3A_292 = arith.addi %parallel_loop3A_291, %parallel_loop3A_290 : i32
      %parallel_loop3A_293 = arith.index_cast %parallel_loop3A_292 : i32 to index
      %parallel_loop3A_294 = tpu.vector_load %arg8[%parallel_loop3A_293] {strides = array<i32>} : memref<16384xi32, #tpu.memory_space<vmem>>, vector<16xi32>,
      %parallel_loop3A_295 = tpu.vector_load_idx %arg7[%parallel_loop3A_294] : memref<100000xf32, #tpu.memory_space<vmem>>[vector<16xi32>], vector<16xf32>,
      %parallel_loop3A_296 = arith.constant 2.000000e+00 : f32
      %parallel_loop3A_297 = vector.broadcast %parallel_loop3A_296 : f32 to vector<16xf32>
      %parallel_loop3A_298 = arith.mulf %parallel_loop3A_295, %parallel_loop3A_297 : vector<16xf32>
      %parallel_loop3A_299 = math.exp %parallel_loop3A_298 : vector<16xf32>
      %parallel_loop3A_300 = arith.constant 0 : i32
      %parallel_loop3A_301 = arith.addi %parallel_loop3A_300, %parallel_loop3A_290 : i32
      %parallel_loop3A_302 = arith.index_cast %parallel_loop3A_301 : i32 to index
      %parallel_loop3A_303 = tpu.vector_load %arg9[%parallel_loop3A_302] {strides = array<i32>} : memref<12288xf32, #tpu.memory_space<vmem>>, vector<16xf32>,
      tpu.vector_store %arg9[%parallel_loop3A_302], %parallel_loop3A_299 {strides = array<i32>} : memref<12288xf32, #tpu.memory_space<vmem>>, vector<16xf32>,
    } {sc.loop_unroll_factor = 8 : i64, sc.parallel_access}
    %dma_start3A_141 = arith.constant 0 : i32
    %dma_start3A_142 = tpu.memref_slice %arg9[%dma_start3A_141] : memref<12288xf32, #tpu.memory_space<vmem>> -> memref<6144xf32, #tpu.memory_space<vmem>>
    %dma_start3A_143 = arith.constant 0 : i32
    %dma_start3A_144 = tpu.memref_slice %arg6[%add3A_127, %dma_start3A_143] : memref<64x16384xf32, #tpu.memory_space<hbm>> -> memref<1x6144xf32, #tpu.memory_space<hbm>>
    %dma_start3A_145 = tpu.memref_squeeze %dma_start3A_144 : memref<1x6144xf32, #tpu.memory_space<hbm>> -> memref<6144xf32, #tpu.memory_space<hbm>>
    %dma_start3A_146 = arith.constant 0 : i32
    %dma_start3A_147 = tpu.memref_slice %arg6[%add3A_127, %dma_start3A_146] : memref<64x16384xf32, #tpu.memory_space<hbm>> -> memref<1x6144xf32, #tpu.memory_space<hbm>>
    %dma_start3A_148 = tpu.memref_squeeze %dma_start3A_147 : memref<1x6144xf32, #tpu.memory_space<hbm>> -> memref<6144xf32, #tpu.memory_space<hbm>>
    %dma_start3A_149 = arith.constant 0 : i32
    %dma_start3A_150 = tpu.memref_slice %arg9[%dma_start3A_149] : memref<12288xf32, #tpu.memory_space<vmem>> -> memref<6144xf32, #tpu.memory_space<vmem>>
    tpu.enqueue_dma source(%dma_start3A_150 : memref<6144xf32, #tpu.memory_space<vmem>>) target(%dma_start3A_148 : memref<6144xf32, #tpu.memory_space<hbm>>) target_semaphore(%arg11 : memref<!tpu.dma_semaphore, #tpu.memory_space<semaphore_mem>>)
    %dma_wait3A_151 = arith.constant 6144 : i32
    %dma_wait3A_152 = tpu.memref_slice %arg9[%dma_wait3A_151] : memref<12288xf32, #tpu.memory_space<vmem>> -> memref<4096xf32, #tpu.memory_space<vmem>>
    %dma_wait3A_153 = arith.constant 12288 : i32
    %dma_wait3A_154 = tpu.memref_slice %arg5[%add3A_54, %dma_wait3A_153] : memref<64x16384xf32, #tpu.memory_space<hbm>> -> memref<1x4096xf32, #tpu.memory_space<hbm>>
    %dma_wait3A_155 = tpu.memref_squeeze %dma_wait3A_154 : memref<1x4096xf32, #tpu.memory_space<hbm>> -> memref<4096xf32, #tpu.memory_space<hbm>>
    %dma_wait3A_156 = arith.constant 12288 : i32
    %dma_wait3A_157 = tpu.memref_slice %arg5[%add3A_54, %dma_wait3A_156] : memref<64x16384xf32, #tpu.memory_space<hbm>> -> memref<1x4096xf32, #tpu.memory_space<hbm>>
    %dma_wait3A_158 = tpu.memref_squeeze %dma_wait3A_157 : memref<1x4096xf32, #tpu.memory_space<hbm>> -> memref<4096xf32, #tpu.memory_space<hbm>>
    %dma_wait3A_159 = arith.constant 6144 : i32
    %dma_wait3A_160 = tpu.memref_slice %arg9[%dma_wait3A_159] : memref<12288xf32, #tpu.memory_space<vmem>> -> memref<4096xf32, #tpu.memory_space<vmem>>
    tpu.wait_dma2 semaphore(%arg11 : memref<!tpu.dma_semaphore, #tpu.memory_space<semaphore_mem>>) src(%dma_wait3A_160 : memref<4096xf32, #tpu.memory_space<vmem>>) dst(%dma_wait3A_158 : memref<4096xf32, #tpu.memory_space<hbm>>)
    %parallel_loop3A_161 = arith.constant 0 : i32
    %parallel_loop3A_162 = arith.constant 6144 : i32
    %parallel_loop3A_163 = arith.constant 16 : i32
    scf.for %parallel_loop3A_290 = %parallel_loop3A_161 to %parallel_loop3A_162 step %parallel_loop3A_163  : i32 {
      %parallel_loop3A_291 = arith.constant 6144 : i32
      %parallel_loop3A_292 = arith.addi %parallel_loop3A_291, %parallel_loop3A_290 : i32
      %parallel_loop3A_293 = arith.index_cast %parallel_loop3A_292 : i32 to index
      %parallel_loop3A_294 = tpu.vector_load %arg8[%parallel_loop3A_293] {strides = array<i32>} : memref<16384xi32, #tpu.memory_space<vmem>>, vector<16xi32>,
      %parallel_loop3A_295 = tpu.vector_load_idx %arg7[%parallel_loop3A_294] : memref<100000xf32, #tpu.memory_space<vmem>>[vector<16xi32>], vector<16xf32>,
      %parallel_loop3A_296 = arith.constant 2.000000e+00 : f32
      %parallel_loop3A_297 = vector.broadcast %parallel_loop3A_296 : f32 to vector<16xf32>
      %parallel_loop3A_298 = arith.mulf %parallel_loop3A_295, %parallel_loop3A_297 : vector<16xf32>
      %parallel_loop3A_299 = math.exp %parallel_loop3A_298 : vector<16xf32>
      %parallel_loop3A_300 = arith.constant 6144 : i32
      %parallel_loop3A_301 = arith.addi %parallel_loop3A_300, %parallel_loop3A_290 : i32
      %parallel_loop3A_302 = arith.index_cast %parallel_loop3A_301 : i32 to index
      %parallel_loop3A_303 = tpu.vector_load %arg9[%parallel_loop3A_302] {strides = array<i32>} : memref<12288xf32, #tpu.memory_space<vmem>>, vector<16xf32>,
      tpu.vector_store %arg9[%parallel_loop3A_302], %parallel_loop3A_299 {strides = array<i32>} : memref<12288xf32, #tpu.memory_space<vmem>>, vector<16xf32>,
    } {sc.loop_unroll_factor = 8 : i64, sc.parallel_access}
    %dma_start3A_164 = arith.constant 6144 : i32
    %dma_start3A_165 = tpu.memref_slice %arg9[%dma_start3A_164] : memref<12288xf32, #tpu.memory_space<vmem>> -> memref<6144xf32, #tpu.memory_space<vmem>>
    %dma_start3A_166 = arith.constant 6144 : i32
    %dma_start3A_167 = tpu.memref_slice %arg6[%add3A_127, %dma_start3A_166] : memref<64x16384xf32, #tpu.memory_space<hbm>> -> memref<1x6144xf32, #tpu.memory_space<hbm>>
    %dma_start3A_168 = tpu.memref_squeeze %dma_start3A_167 : memref<1x6144xf32, #tpu.memory_space<hbm>> -> memref<6144xf32, #tpu.memory_space<hbm>>
    %dma_start3A_169 = arith.constant 6144 : i32
    %dma_start3A_170 = tpu.memref_slice %arg6[%add3A_127, %dma_start3A_169] : memref<64x16384xf32, #tpu.memory_space<hbm>> -> memref<1x6144xf32, #tpu.memory_space<hbm>>
    %dma_start3A_171 = tpu.memref_squeeze %dma_start3A_170 : memref<1x6144xf32, #tpu.memory_space<hbm>> -> memref<6144xf32, #tpu.memory_space<hbm>>
    %dma_start3A_172 = arith.constant 6144 : i32
    %dma_start3A_173 = tpu.memref_slice %arg9[%dma_start3A_172] : memref<12288xf32, #tpu.memory_space<vmem>> -> memref<6144xf32, #tpu.memory_space<vmem>>
    tpu.enqueue_dma source(%dma_start3A_173 : memref<6144xf32, #tpu.memory_space<vmem>>) target(%dma_start3A_171 : memref<6144xf32, #tpu.memory_space<hbm>>) target_semaphore(%arg11 : memref<!tpu.dma_semaphore, #tpu.memory_space<semaphore_mem>>)
    %dma_wait3A_174 = arith.constant 0 : i32
    %dma_wait3A_175 = tpu.memref_slice %arg9[%dma_wait3A_174] : memref<12288xf32, #tpu.memory_space<vmem>> -> memref<6144xf32, #tpu.memory_space<vmem>>
    %dma_wait3A_176 = arith.constant 0 : i32
    %dma_wait3A_177 = tpu.memref_slice %arg6[%add3A_127, %dma_wait3A_176] : memref<64x16384xf32, #tpu.memory_space<hbm>> -> memref<1x6144xf32, #tpu.memory_space<hbm>>
    %dma_wait3A_178 = tpu.memref_squeeze %dma_wait3A_177 : memref<1x6144xf32, #tpu.memory_space<hbm>> -> memref<6144xf32, #tpu.memory_space<hbm>>
    %dma_wait3A_179 = arith.constant 0 : i32
    %dma_wait3A_180 = tpu.memref_slice %arg6[%add3A_127, %dma_wait3A_179] : memref<64x16384xf32, #tpu.memory_space<hbm>> -> memref<1x6144xf32, #tpu.memory_space<hbm>>
    %dma_wait3A_181 = tpu.memref_squeeze %dma_wait3A_180 : memref<1x6144xf32, #tpu.memory_space<hbm>> -> memref<6144xf32, #tpu.memory_space<hbm>>
    %dma_wait3A_182 = arith.constant 0 : i32
    %dma_wait3A_183 = tpu.memref_slice %arg9[%dma_wait3A_182] : memref<12288xf32, #tpu.memory_space<vmem>> -> memref<6144xf32, #tpu.memory_space<vmem>>
    tpu.wait_dma2 semaphore(%arg11 : memref<!tpu.dma_semaphore, #tpu.memory_space<semaphore_mem>>) src(%dma_wait3A_183 : memref<6144xf32, #tpu.memory_space<vmem>>) dst(%dma_wait3A_181 : memref<6144xf32, #tpu.memory_space<hbm>>)
    %parallel_loop3A_184 = arith.constant 0 : i32
    %parallel_loop3A_185 = arith.constant 4096 : i32
    %parallel_loop3A_186 = arith.constant 16 : i32
    scf.for %parallel_loop3A_290 = %parallel_loop3A_184 to %parallel_loop3A_185 step %parallel_loop3A_186  : i32 {
      %parallel_loop3A_291 = arith.constant 12288 : i32
      %parallel_loop3A_292 = arith.addi %parallel_loop3A_291, %parallel_loop3A_290 : i32
      %parallel_loop3A_293 = arith.index_cast %parallel_loop3A_292 : i32 to index
      %parallel_loop3A_294 = tpu.vector_load %arg8[%parallel_loop3A_293] {strides = array<i32>} : memref<16384xi32, #tpu.memory_space<vmem>>, vector<16xi32>,
      %parallel_loop3A_295 = tpu.vector_load_idx %arg7[%parallel_loop3A_294] : memref<100000xf32, #tpu.memory_space<vmem>>[vector<16xi32>], vector<16xf32>,
      %parallel_loop3A_296 = arith.constant 2.000000e+00 : f32
      %parallel_loop3A_297 = vector.broadcast %parallel_loop3A_296 : f32 to vector<16xf32>
      %parallel_loop3A_298 = arith.mulf %parallel_loop3A_295, %parallel_loop3A_297 : vector<16xf32>
      %parallel_loop3A_299 = math.exp %parallel_loop3A_298 : vector<16xf32>
      %parallel_loop3A_300 = arith.constant 0 : i32
      %parallel_loop3A_301 = arith.addi %parallel_loop3A_300, %parallel_loop3A_290 : i32
      %parallel_loop3A_302 = arith.index_cast %parallel_loop3A_301 : i32 to index
      %parallel_loop3A_303 = tpu.vector_load %arg9[%parallel_loop3A_302] {strides = array<i32>} : memref<12288xf32, #tpu.memory_space<vmem>>, vector<16xf32>,
      tpu.vector_store %arg9[%parallel_loop3A_302], %parallel_loop3A_299 {strides = array<i32>} : memref<12288xf32, #tpu.memory_space<vmem>>, vector<16xf32>,
    } {sc.loop_unroll_factor = 8 : i64, sc.parallel_access}
    %dma_start3A_187 = arith.constant 0 : i32
    %dma_start3A_188 = tpu.memref_slice %arg9[%dma_start3A_187] : memref<12288xf32, #tpu.memory_space<vmem>> -> memref<4096xf32, #tpu.memory_space<vmem>>
    %dma_start3A_189 = arith.constant 12288 : i32
    %dma_start3A_190 = tpu.memref_slice %arg6[%add3A_127, %dma_start3A_189] : memref<64x16384xf32, #tpu.memory_space<hbm>> -> memref<1x4096xf32, #tpu.memory_space<hbm>>
    %dma_start3A_191 = tpu.memref_squeeze %dma_start3A_190 : memref<1x4096xf32, #tpu.memory_space<hbm>> -> memref<4096xf32, #tpu.memory_space<hbm>>
    %dma_start3A_192 = arith.constant 12288 : i32
    %dma_start3A_193 = tpu.memref_slice %arg6[%add3A_127, %dma_start3A_192] : memref<64x16384xf32, #tpu.memory_space<hbm>> -> memref<1x4096xf32, #tpu.memory_space<hbm>>
    %dma_start3A_194 = tpu.memref_squeeze %dma_start3A_193 : memref<1x4096xf32, #tpu.memory_space<hbm>> -> memref<4096xf32, #tpu.memory_space<hbm>>
    %dma_start3A_195 = arith.constant 0 : i32
    %dma_start3A_196 = tpu.memref_slice %arg9[%dma_start3A_195] : memref<12288xf32, #tpu.memory_space<vmem>> -> memref<4096xf32, #tpu.memory_space<vmem>>
    tpu.enqueue_dma source(%dma_start3A_196 : memref<4096xf32, #tpu.memory_space<vmem>>) target(%dma_start3A_194 : memref<4096xf32, #tpu.memory_space<hbm>>) target_semaphore(%arg11 : memref<!tpu.dma_semaphore, #tpu.memory_space<semaphore_mem>>)
    %mul3A_197 = arith.constant 2 : i32
    %mul3A_198 = arith.muli %add3A, %mul3A_197 : i32
    %add3A_199 = arith.constant 1 : i32
    %add3A_200 = arith.addi %mul3A_198, %add3A_199 : i32
    "tpu.region"() ({
      %run_scoped3A = tpu.sem_alloc : memref<!tpu.dma_semaphore, #tpu.memory_space<semaphore_mem>>
      %dma_start3A_290 = arith.constant 0 : i32
      %dma_start3A_291 = tpu.memref_slice %arg3[%add3A_200, %dma_start3A_290] : memref<64x100000xf32, #tpu.memory_space<hbm>> -> memref<1x100000xf32, #tpu.memory_space<hbm>>
      %dma_start3A_292 = tpu.memref_squeeze %dma_start3A_291 : memref<1x100000xf32, #tpu.memory_space<hbm>> -> memref<100000xf32, #tpu.memory_space<hbm>>
      %dma_start3A_293 = arith.constant 0 : i32
      %dma_start3A_294 = tpu.memref_slice %arg3[%add3A_200, %dma_start3A_293] : memref<64x100000xf32, #tpu.memory_space<hbm>> -> memref<1x100000xf32, #tpu.memory_space<hbm>>
      %dma_start3A_295 = tpu.memref_squeeze %dma_start3A_294 : memref<1x100000xf32, #tpu.memory_space<hbm>> -> memref<100000xf32, #tpu.memory_space<hbm>>
      tpu.enqueue_dma source(%dma_start3A_295 : memref<100000xf32, #tpu.memory_space<hbm>>) target(%arg7 : memref<100000xf32, #tpu.memory_space<vmem>>) target_semaphore(%run_scoped3A : memref<!tpu.dma_semaphore, #tpu.memory_space<semaphore_mem>>)
      %dma_wait3A_296 = arith.constant 0 : i32
      %dma_wait3A_297 = tpu.memref_slice %arg3[%add3A_200, %dma_wait3A_296] : memref<64x100000xf32, #tpu.memory_space<hbm>> -> memref<1x100000xf32, #tpu.memory_space<hbm>>
      %dma_wait3A_298 = tpu.memref_squeeze %dma_wait3A_297 : memref<1x100000xf32, #tpu.memory_space<hbm>> -> memref<100000xf32, #tpu.memory_space<hbm>>
      %dma_wait3A_299 = arith.constant 0 : i32
      %dma_wait3A_300 = tpu.memref_slice %arg3[%add3A_200, %dma_wait3A_299] : memref<64x100000xf32, #tpu.memory_space<hbm>> -> memref<1x100000xf32, #tpu.memory_space<hbm>>
      %dma_wait3A_301 = tpu.memref_squeeze %dma_wait3A_300 : memref<1x100000xf32, #tpu.memory_space<hbm>> -> memref<100000xf32, #tpu.memory_space<hbm>>
      tpu.wait_dma2 semaphore(%run_scoped3A : memref<!tpu.dma_semaphore, #tpu.memory_space<semaphore_mem>>) src(%dma_wait3A_301 : memref<100000xf32, #tpu.memory_space<hbm>>) dst(%arg7 : memref<100000xf32, #tpu.memory_space<vmem>>)
      tpu.yield
    }) : () -> ()
    %dma_wait3A_201 = arith.constant 6144 : i32
    %dma_wait3A_202 = tpu.memref_slice %arg9[%dma_wait3A_201] : memref<12288xf32, #tpu.memory_space<vmem>> -> memref<6144xf32, #tpu.memory_space<vmem>>
    %dma_wait3A_203 = arith.constant 6144 : i32
    %dma_wait3A_204 = tpu.memref_slice %arg6[%add3A_127, %dma_wait3A_203] : memref<64x16384xf32, #tpu.memory_space<hbm>> -> memref<1x6144xf32, #tpu.memory_space<hbm>>
    %dma_wait3A_205 = tpu.memref_squeeze %dma_wait3A_204 : memref<1x6144xf32, #tpu.memory_space<hbm>> -> memref<6144xf32, #tpu.memory_space<hbm>>
    %dma_wait3A_206 = arith.constant 6144 : i32
    %dma_wait3A_207 = tpu.memref_slice %arg6[%add3A_127, %dma_wait3A_206] : memref<64x16384xf32, #tpu.memory_space<hbm>> -> memref<1x6144xf32, #tpu.memory_space<hbm>>
    %dma_wait3A_208 = tpu.memref_squeeze %dma_wait3A_207 : memref<1x6144xf32, #tpu.memory_space<hbm>> -> memref<6144xf32, #tpu.memory_space<hbm>>
    %dma_wait3A_209 = arith.constant 6144 : i32
    %dma_wait3A_210 = tpu.memref_slice %arg9[%dma_wait3A_209] : memref<12288xf32, #tpu.memory_space<vmem>> -> memref<6144xf32, #tpu.memory_space<vmem>>
    tpu.wait_dma2 semaphore(%arg11 : memref<!tpu.dma_semaphore, #tpu.memory_space<semaphore_mem>>) src(%dma_wait3A_210 : memref<6144xf32, #tpu.memory_space<vmem>>) dst(%dma_wait3A_208 : memref<6144xf32, #tpu.memory_space<hbm>>)
    %parallel_loop3A_211 = arith.constant 0 : i32
    %parallel_loop3A_212 = arith.constant 6144 : i32
    %parallel_loop3A_213 = arith.constant 16 : i32
    scf.for %parallel_loop3A_290 = %parallel_loop3A_211 to %parallel_loop3A_212 step %parallel_loop3A_213  : i32 {
      %parallel_loop3A_291 = arith.constant 0 : i32
      %parallel_loop3A_292 = arith.addi %parallel_loop3A_291, %parallel_loop3A_290 : i32
      %parallel_loop3A_293 = arith.index_cast %parallel_loop3A_292 : i32 to index
      %parallel_loop3A_294 = tpu.vector_load %arg8[%parallel_loop3A_293] {strides = array<i32>} : memref<16384xi32, #tpu.memory_space<vmem>>, vector<16xi32>,
      %parallel_loop3A_295 = tpu.vector_load_idx %arg7[%parallel_loop3A_294] : memref<100000xf32, #tpu.memory_space<vmem>>[vector<16xi32>], vector<16xf32>,
      %parallel_loop3A_296 = arith.constant 2.000000e+00 : f32
      %parallel_loop3A_297 = vector.broadcast %parallel_loop3A_296 : f32 to vector<16xf32>
      %parallel_loop3A_298 = arith.mulf %parallel_loop3A_295, %parallel_loop3A_297 : vector<16xf32>
      %parallel_loop3A_299 = math.exp %parallel_loop3A_298 : vector<16xf32>
      %parallel_loop3A_300 = arith.constant 6144 : i32
      %parallel_loop3A_301 = arith.addi %parallel_loop3A_300, %parallel_loop3A_290 : i32
      %parallel_loop3A_302 = arith.index_cast %parallel_loop3A_301 : i32 to index
      %parallel_loop3A_303 = tpu.vector_load %arg9[%parallel_loop3A_302] {strides = array<i32>} : memref<12288xf32, #tpu.memory_space<vmem>>, vector<16xf32>,
      tpu.vector_store %arg9[%parallel_loop3A_302], %parallel_loop3A_299 {strides = array<i32>} : memref<12288xf32, #tpu.memory_space<vmem>>, vector<16xf32>,
    } {sc.loop_unroll_factor = 8 : i64, sc.parallel_access}
    %dma_start3A_214 = arith.constant 6144 : i32
    %dma_start3A_215 = tpu.memref_slice %arg9[%dma_start3A_214] : memref<12288xf32, #tpu.memory_space<vmem>> -> memref<6144xf32, #tpu.memory_space<vmem>>
    %dma_start3A_216 = arith.constant 0 : i32
    %dma_start3A_217 = tpu.memref_slice %arg6[%add3A_200, %dma_start3A_216] : memref<64x16384xf32, #tpu.memory_space<hbm>> -> memref<1x6144xf32, #tpu.memory_space<hbm>>
    %dma_start3A_218 = tpu.memref_squeeze %dma_start3A_217 : memref<1x6144xf32, #tpu.memory_space<hbm>> -> memref<6144xf32, #tpu.memory_space<hbm>>
    %dma_start3A_219 = arith.constant 0 : i32
    %dma_start3A_220 = tpu.memref_slice %arg6[%add3A_200, %dma_start3A_219] : memref<64x16384xf32, #tpu.memory_space<hbm>> -> memref<1x6144xf32, #tpu.memory_space<hbm>>
    %dma_start3A_221 = tpu.memref_squeeze %dma_start3A_220 : memref<1x6144xf32, #tpu.memory_space<hbm>> -> memref<6144xf32, #tpu.memory_space<hbm>>
    %dma_start3A_222 = arith.constant 6144 : i32
    %dma_start3A_223 = tpu.memref_slice %arg9[%dma_start3A_222] : memref<12288xf32, #tpu.memory_space<vmem>> -> memref<6144xf32, #tpu.memory_space<vmem>>
    tpu.enqueue_dma source(%dma_start3A_223 : memref<6144xf32, #tpu.memory_space<vmem>>) target(%dma_start3A_221 : memref<6144xf32, #tpu.memory_space<hbm>>) target_semaphore(%arg11 : memref<!tpu.dma_semaphore, #tpu.memory_space<semaphore_mem>>)
    %dma_wait3A_224 = arith.constant 0 : i32
    %dma_wait3A_225 = tpu.memref_slice %arg9[%dma_wait3A_224] : memref<12288xf32, #tpu.memory_space<vmem>> -> memref<4096xf32, #tpu.memory_space<vmem>>
    %dma_wait3A_226 = arith.constant 12288 : i32
    %dma_wait3A_227 = tpu.memref_slice %arg6[%add3A_127, %dma_wait3A_226] : memref<64x16384xf32, #tpu.memory_space<hbm>> -> memref<1x4096xf32, #tpu.memory_space<hbm>>
    %dma_wait3A_228 = tpu.memref_squeeze %dma_wait3A_227 : memref<1x4096xf32, #tpu.memory_space<hbm>> -> memref<4096xf32, #tpu.memory_space<hbm>>
    %dma_wait3A_229 = arith.constant 12288 : i32
    %dma_wait3A_230 = tpu.memref_slice %arg6[%add3A_127, %dma_wait3A_229] : memref<64x16384xf32, #tpu.memory_space<hbm>> -> memref<1x4096xf32, #tpu.memory_space<hbm>>
    %dma_wait3A_231 = tpu.memref_squeeze %dma_wait3A_230 : memref<1x4096xf32, #tpu.memory_space<hbm>> -> memref<4096xf32, #tpu.memory_space<hbm>>
    %dma_wait3A_232 = arith.constant 0 : i32
    %dma_wait3A_233 = tpu.memref_slice %arg9[%dma_wait3A_232] : memref<12288xf32, #tpu.memory_space<vmem>> -> memref<4096xf32, #tpu.memory_space<vmem>>
    tpu.wait_dma2 semaphore(%arg11 : memref<!tpu.dma_semaphore, #tpu.memory_space<semaphore_mem>>) src(%dma_wait3A_233 : memref<4096xf32, #tpu.memory_space<vmem>>) dst(%dma_wait3A_231 : memref<4096xf32, #tpu.memory_space<hbm>>)
    %parallel_loop3A_234 = arith.constant 0 : i32
    %parallel_loop3A_235 = arith.constant 6144 : i32
    %parallel_loop3A_236 = arith.constant 16 : i32
    scf.for %parallel_loop3A_290 = %parallel_loop3A_234 to %parallel_loop3A_235 step %parallel_loop3A_236  : i32 {
      %parallel_loop3A_291 = arith.constant 6144 : i32
      %parallel_loop3A_292 = arith.addi %parallel_loop3A_291, %parallel_loop3A_290 : i32
      %parallel_loop3A_293 = arith.index_cast %parallel_loop3A_292 : i32 to index
      %parallel_loop3A_294 = tpu.vector_load %arg8[%parallel_loop3A_293] {strides = array<i32>} : memref<16384xi32, #tpu.memory_space<vmem>>, vector<16xi32>,
      %parallel_loop3A_295 = tpu.vector_load_idx %arg7[%parallel_loop3A_294] : memref<100000xf32, #tpu.memory_space<vmem>>[vector<16xi32>], vector<16xf32>,
      %parallel_loop3A_296 = arith.constant 2.000000e+00 : f32
      %parallel_loop3A_297 = vector.broadcast %parallel_loop3A_296 : f32 to vector<16xf32>
      %parallel_loop3A_298 = arith.mulf %parallel_loop3A_295, %parallel_loop3A_297 : vector<16xf32>
      %parallel_loop3A_299 = math.exp %parallel_loop3A_298 : vector<16xf32>
      %parallel_loop3A_300 = arith.constant 0 : i32
      %parallel_loop3A_301 = arith.addi %parallel_loop3A_300, %parallel_loop3A_290 : i32
      %parallel_loop3A_302 = arith.index_cast %parallel_loop3A_301 : i32 to index
      %parallel_loop3A_303 = tpu.vector_load %arg9[%parallel_loop3A_302] {strides = array<i32>} : memref<12288xf32, #tpu.memory_space<vmem>>, vector<16xf32>,
      tpu.vector_store %arg9[%parallel_loop3A_302], %parallel_loop3A_299 {strides = array<i32>} : memref<12288xf32, #tpu.memory_space<vmem>>, vector<16xf32>,
    } {sc.loop_unroll_factor = 8 : i64, sc.parallel_access}
    %dma_start3A_237 = arith.constant 0 : i32
    %dma_start3A_238 = tpu.memref_slice %arg9[%dma_start3A_237] : memref<12288xf32, #tpu.memory_space<vmem>> -> memref<6144xf32, #tpu.memory_space<vmem>>
    %dma_start3A_239 = arith.constant 6144 : i32
    %dma_start3A_240 = tpu.memref_slice %arg6[%add3A_200, %dma_start3A_239] : memref<64x16384xf32, #tpu.memory_space<hbm>> -> memref<1x6144xf32, #tpu.memory_space<hbm>>
    %dma_start3A_241 = tpu.memref_squeeze %dma_start3A_240 : memref<1x6144xf32, #tpu.memory_space<hbm>> -> memref<6144xf32, #tpu.memory_space<hbm>>
    %dma_start3A_242 = arith.constant 6144 : i32
    %dma_start3A_243 = tpu.memref_slice %arg6[%add3A_200, %dma_start3A_242] : memref<64x16384xf32, #tpu.memory_space<hbm>> -> memref<1x6144xf32, #tpu.memory_space<hbm>>
    %dma_start3A_244 = tpu.memref_squeeze %dma_start3A_243 : memref<1x6144xf32, #tpu.memory_space<hbm>> -> memref<6144xf32, #tpu.memory_space<hbm>>
    %dma_start3A_245 = arith.constant 0 : i32
    %dma_start3A_246 = tpu.memref_slice %arg9[%dma_start3A_245] : memref<12288xf32, #tpu.memory_space<vmem>> -> memref<6144xf32, #tpu.memory_space<vmem>>
    tpu.enqueue_dma source(%dma_start3A_246 : memref<6144xf32, #tpu.memory_space<vmem>>) target(%dma_start3A_244 : memref<6144xf32, #tpu.memory_space<hbm>>) target_semaphore(%arg11 : memref<!tpu.dma_semaphore, #tpu.memory_space<semaphore_mem>>)
    %dma_wait3A_247 = arith.constant 6144 : i32
    %dma_wait3A_248 = tpu.memref_slice %arg9[%dma_wait3A_247] : memref<12288xf32, #tpu.memory_space<vmem>> -> memref<6144xf32, #tpu.memory_space<vmem>>
    %dma_wait3A_249 = arith.constant 0 : i32
    %dma_wait3A_250 = tpu.memref_slice %arg6[%add3A_200, %dma_wait3A_249] : memref<64x16384xf32, #tpu.memory_space<hbm>> -> memref<1x6144xf32, #tpu.memory_space<hbm>>
    %dma_wait3A_251 = tpu.memref_squeeze %dma_wait3A_250 : memref<1x6144xf32, #tpu.memory_space<hbm>> -> memref<6144xf32, #tpu.memory_space<hbm>>
    %dma_wait3A_252 = arith.constant 0 : i32
    %dma_wait3A_253 = tpu.memref_slice %arg6[%add3A_200, %dma_wait3A_252] : memref<64x16384xf32, #tpu.memory_space<hbm>> -> memref<1x6144xf32, #tpu.memory_space<hbm>>
    %dma_wait3A_254 = tpu.memref_squeeze %dma_wait3A_253 : memref<1x6144xf32, #tpu.memory_space<hbm>> -> memref<6144xf32, #tpu.memory_space<hbm>>
    %dma_wait3A_255 = arith.constant 6144 : i32
    %dma_wait3A_256 = tpu.memref_slice %arg9[%dma_wait3A_255] : memref<12288xf32, #tpu.memory_space<vmem>> -> memref<6144xf32, #tpu.memory_space<vmem>>
    tpu.wait_dma2 semaphore(%arg11 : memref<!tpu.dma_semaphore, #tpu.memory_space<semaphore_mem>>) src(%dma_wait3A_256 : memref<6144xf32, #tpu.memory_space<vmem>>) dst(%dma_wait3A_254 : memref<6144xf32, #tpu.memory_space<hbm>>)
    %parallel_loop3A_257 = arith.constant 0 : i32
    %parallel_loop3A_258 = arith.constant 4096 : i32
    %parallel_loop3A_259 = arith.constant 16 : i32
    scf.for %parallel_loop3A_290 = %parallel_loop3A_257 to %parallel_loop3A_258 step %parallel_loop3A_259  : i32 {
      %parallel_loop3A_291 = arith.constant 12288 : i32
      %parallel_loop3A_292 = arith.addi %parallel_loop3A_291, %parallel_loop3A_290 : i32
      %parallel_loop3A_293 = arith.index_cast %parallel_loop3A_292 : i32 to index
      %parallel_loop3A_294 = tpu.vector_load %arg8[%parallel_loop3A_293] {strides = array<i32>} : memref<16384xi32, #tpu.memory_space<vmem>>, vector<16xi32>,
      %parallel_loop3A_295 = tpu.vector_load_idx %arg7[%parallel_loop3A_294] : memref<100000xf32, #tpu.memory_space<vmem>>[vector<16xi32>], vector<16xf32>,
      %parallel_loop3A_296 = arith.constant 2.000000e+00 : f32
      %parallel_loop3A_297 = vector.broadcast %parallel_loop3A_296 : f32 to vector<16xf32>
      %parallel_loop3A_298 = arith.mulf %parallel_loop3A_295, %parallel_loop3A_297 : vector<16xf32>
      %parallel_loop3A_299 = math.exp %parallel_loop3A_298 : vector<16xf32>
      %parallel_loop3A_300 = arith.constant 6144 : i32
      %parallel_loop3A_301 = arith.addi %parallel_loop3A_300, %parallel_loop3A_290 : i32
      %parallel_loop3A_302 = arith.index_cast %parallel_loop3A_301 : i32 to index
      %parallel_loop3A_303 = tpu.vector_load %arg9[%parallel_loop3A_302] {strides = array<i32>} : memref<12288xf32, #tpu.memory_space<vmem>>, vector<16xf32>,
      tpu.vector_store %arg9[%parallel_loop3A_302], %parallel_loop3A_299 {strides = array<i32>} : memref<12288xf32, #tpu.memory_space<vmem>>, vector<16xf32>,
    } {sc.loop_unroll_factor = 8 : i64, sc.parallel_access}
    %dma_start3A_260 = arith.constant 6144 : i32
    %dma_start3A_261 = tpu.memref_slice %arg9[%dma_start3A_260] : memref<12288xf32, #tpu.memory_space<vmem>> -> memref<4096xf32, #tpu.memory_space<vmem>>
    %dma_start3A_262 = arith.constant 12288 : i32
    %dma_start3A_263 = tpu.memref_slice %arg6[%add3A_200, %dma_start3A_262] : memref<64x16384xf32, #tpu.memory_space<hbm>> -> memref<1x4096xf32, #tpu.memory_space<hbm>>
    %dma_start3A_264 = tpu.memref_squeeze %dma_start3A_263 : memref<1x4096xf32, #tpu.memory_space<hbm>> -> memref<4096xf32, #tpu.memory_space<hbm>>
    %dma_start3A_265 = arith.constant 12288 : i32
    %dma_start3A_266 = tpu.memref_slice %arg6[%add3A_200, %dma_start3A_265] : memref<64x16384xf32, #tpu.memory_space<hbm>> -> memref<1x4096xf32, #tpu.memory_space<hbm>>
    %dma_start3A_267 = tpu.memref_squeeze %dma_start3A_266 : memref<1x4096xf32, #tpu.memory_space<hbm>> -> memref<4096xf32, #tpu.memory_space<hbm>>
    %dma_start3A_268 = arith.constant 6144 : i32
    %dma_start3A_269 = tpu.memref_slice %arg9[%dma_start3A_268] : memref<12288xf32, #tpu.memory_space<vmem>> -> memref<4096xf32, #tpu.memory_space<vmem>>
    tpu.enqueue_dma source(%dma_start3A_269 : memref<4096xf32, #tpu.memory_space<vmem>>) target(%dma_start3A_267 : memref<4096xf32, #tpu.memory_space<hbm>>) target_semaphore(%arg11 : memref<!tpu.dma_semaphore, #tpu.memory_space<semaphore_mem>>)
    %dma_wait3A_270 = arith.constant 0 : i32
    %dma_wait3A_271 = tpu.memref_slice %arg9[%dma_wait3A_270] : memref<12288xf32, #tpu.memory_space<vmem>> -> memref<6144xf32, #tpu.memory_space<vmem>>
    %dma_wait3A_272 = arith.constant 6144 : i32
    %dma_wait3A_273 = tpu.memref_slice %arg6[%add3A_200, %dma_wait3A_272] : memref<64x16384xf32, #tpu.memory_space<hbm>> -> memref<1x6144xf32, #tpu.memory_space<hbm>>
    %dma_wait3A_274 = tpu.memref_squeeze %dma_wait3A_273 : memref<1x6144xf32, #tpu.memory_space<hbm>> -> memref<6144xf32, #tpu.memory_space<hbm>>
    %dma_wait3A_275 = arith.constant 6144 : i32
    %dma_wait3A_276 = tpu.memref_slice %arg6[%add3A_200, %dma_wait3A_275] : memref<64x16384xf32, #tpu.memory_space<hbm>> -> memref<1x6144xf32, #tpu.memory_space<hbm>>
    %dma_wait3A_277 = tpu.memref_squeeze %dma_wait3A_276 : memref<1x6144xf32, #tpu.memory_space<hbm>> -> memref<6144xf32, #tpu.memory_space<hbm>>
    %dma_wait3A_278 = arith.constant 0 : i32
    %dma_wait3A_279 = tpu.memref_slice %arg9[%dma_wait3A_278] : memref<12288xf32, #tpu.memory_space<vmem>> -> memref<6144xf32, #tpu.memory_space<vmem>>
    tpu.wait_dma2 semaphore(%arg11 : memref<!tpu.dma_semaphore, #tpu.memory_space<semaphore_mem>>) src(%dma_wait3A_279 : memref<6144xf32, #tpu.memory_space<vmem>>) dst(%dma_wait3A_277 : memref<6144xf32, #tpu.memory_space<hbm>>)
    %dma_wait3A_280 = arith.constant 6144 : i32
    %dma_wait3A_281 = tpu.memref_slice %arg9[%dma_wait3A_280] : memref<12288xf32, #tpu.memory_space<vmem>> -> memref<4096xf32, #tpu.memory_space<vmem>>
    %dma_wait3A_282 = arith.constant 12288 : i32
    %dma_wait3A_283 = tpu.memref_slice %arg6[%add3A_200, %dma_wait3A_282] : memref<64x16384xf32, #tpu.memory_space<hbm>> -> memref<1x4096xf32, #tpu.memory_space<hbm>>
    %dma_wait3A_284 = tpu.memref_squeeze %dma_wait3A_283 : memref<1x4096xf32, #tpu.memory_space<hbm>> -> memref<4096xf32, #tpu.memory_space<hbm>>
    %dma_wait3A_285 = arith.constant 12288 : i32
    %dma_wait3A_286 = tpu.memref_slice %arg6[%add3A_200, %dma_wait3A_285] : memref<64x16384xf32, #tpu.memory_space<hbm>> -> memref<1x4096xf32, #tpu.memory_space<hbm>>
    %dma_wait3A_287 = tpu.memref_squeeze %dma_wait3A_286 : memref<1x4096xf32, #tpu.memory_space<hbm>> -> memref<4096xf32, #tpu.memory_space<hbm>>
    %dma_wait3A_288 = arith.constant 6144 : i32
    %dma_wait3A_289 = tpu.memref_slice %arg9[%dma_wait3A_288] : memref<12288xf32, #tpu.memory_space<vmem>> -> memref<4096xf32, #tpu.memory_space<vmem>>
    tpu.wait_dma2 semaphore(%arg11 : memref<!tpu.dma_semaphore, #tpu.memory_space<semaphore_mem>>) src(%dma_wait3A_289 : memref<4096xf32, #tpu.memory_space<vmem>>) dst(%dma_wait3A_287 : memref<4096xf32, #tpu.memory_space<hbm>>)
    return
  }
}

</mosaic_0001>

<sc_bundles>
// kernel: kernel.3.cloned.1.call-start
scs
__scs_entry_jumppad:
0x0: {  	(pc) =	sbr.rel $0x88, $3  }
0x1: {  	(tag) =	ssettag $0x0;
	lr =	simm.s32 $0x1  }
0x2: {  	[smem:$0x3F9E] =	sst lr;
	_ =	strace $0xD0000000  }
0x3: {  	_ = 	snop  }
0x4: {  	_ = 	snop  }
0x5: {  	_ = 	snop  }
0x6: {  	_ = 	snop  }
0x7: {  	_ = 	snop  }
__scs_overlays_trampoline_lowered:
0x8: {  	[smem:$0x3FAD] =	sst s0  }
0x9: {  	[smem:$0x3FAE] =	sst s1  }
0xa: {  	[smem:$0x3FAF] =	sst s2  }
0xb: {  	[smem:$0x3FB0] =	sst s3  }
0xc: {  	[smem:$0x3FB1] =	sst s4  }
0xd: {  	[smem:$0x3FB2] =	sst s5  }
0xe: {  	[smem:$0x3FB3] =	sst s6  }
0xf: {  	[smem:$0x3FB4] =	sst s7  }
0x10: {  	[smem:$0x3FB5] =	sst s8  }
0x11: {  	[smem:$0x3FB6] =	sst s9;
	s0 =	simm.s32 @!p0 $0x0  }
0x12: {  	s1 =	sld [smem:$0x3F9C];
	s0 =	simm.s32 @p0 $0x1  }
0x13: {  	[smem:$0x3FB7] =	sst s0;
	s0 =	simm.s32 @!p1 $0x0  }
0x14: {  	s2 =	sld [smem:$0x3F9B];
	s0 =	simm.s32 @p1 $0x1  }
0x15: {  	[smem:$0x3FB8] =	sst s0;
	s0 =	simm.s32 @!p2 $0x0  }
0x16: {  	s3 =	sld [smem:$0x3FDB];
	s0 =	simm.s32 @p2 $0x1  }
0x17: {  	s4 =	simm.s32 $0x1BF5;
	[smem:$0x3FBA] =	sst s0  }
0x18: {  	s0 =	sld [smem:$0x3F9D];
	_ =	swait.ge [sflag:s4], $0x0  }
0x19: {  	s7 =	sld [smem:$0x3F9E]  }
0x1a: {  	s8 =	sadd.s32 $0xFFFFE003, lr  }
0x1b: {  	s9 =	sadd.s32 $0xFFFFFEF7, lr;
	s5 =	simm.s32 $0xFFFFFFFF;
	p2 =	slt.u32 s8, $0xFFFFF086  }
0x1c: {  	p1 =	slt.u32 s9, $0xF7A;
	s5 =	simm.s32 @!p2 $0x0  }
0x1d: {  	s5 =	simm.s32 @p1 $0x1;
	p0 =	seq.s32 s7, s2  }
0x1e: {  	s7 =	smul.u32 @!p0 $0xF7A, s2;
	p2 =	seq.s32 @!p0 s5, $0x0  }
0x1f: {  	s9 =	smul.u32 $0xF7A, s1;
	s8 =	simm.s32 @!p0 $0x1BF5;
	p2 =	por !p2, p0  }
0x20: {  	[sflag:s8] =	ssyncset.s32 @!p0 $0xFFFFF086;
	s6 =	sadd.s32 @!p0 s3, s7;
	s7 =	simm.s32 @!p0 $0x108  }
0x21: {  	s3 =	sadd.s32 s3, s9;
	s6 =	sadd.s32 @!p0 $0x88, s6;
	s7 =	simm.s32 @p2 $0x1082  }
0x22: {  	[simem:s7], [sflag:s8] =	dma.local @!p0 [hbm:s6], $0xF7A  }
0x23: {  	s9 =	sor.u32 $0xD0000000, s2;
	s6 =	simm.s32 $0x108;
	_ =	swait.ge @!p0 [sflag:s8], $0x0  }
0x24: {  	s3 =	sadd.s32 $0x88, s3;
	s6 =	simm.s32 @!p1 $0x1082;
	[sflag:s4] =	ssyncset.s32 $0xFFFFF086  }
0x25: {  	[simem:s6], [sflag:s4] =	dma.local [hbm:s3], $0xF7A  }
0x26: {  	[smem:$0x3F9E] =	sst s1;
	(tag) =	ssettag s2;
	_ =	strace s9  }
0x27: {  	s1 =	sld [smem:$0x3FAE]  }
0x28: {  	s2 =	sld [smem:$0x3FAF]  }
0x29: {  	s4 =	sld [smem:$0x3FB1]  }
0x2a: {  	p0 =	seq.s32 s5, $0x0;
	s5 =	sld [smem:$0x3FB2]  }
0x2b: {  	s6 =	sld [smem:$0x3FB3]  }
0x2c: {  	s7 =	sld [smem:$0x3FB4]  }
0x2d: {  	s3 =	simm.s32 $0x108;
	s8 =	sld [smem:$0x3FB5]  }
0x2e: {  	s3 =	simm.s32 @!p0 $0x1082;
	s9 =	sld [smem:$0x3FB6]  }
0x2f: {  	lr =	sadd.s32 s0, s3;
	s0 =	sld [smem:$0x3FAD]  }
0x30: {  	s3 =	sld [smem:$0x3FB0]  }
0x31: {  	[smem:$0x3FB9] =	sst s10  }
0x32: {  	s10 =	sld [smem:$0x3FB7];
	_ =	sdelay $0x3  }
0x33: {  	p0 =	seq.s32 s10, $0x1;
	s10 =	sld [smem:$0x3FB9];
	_ =	sdelay $0x3  }
0x34: {  	[smem:$0x3FB9] =	sst s10  }
0x35: {  	s10 =	sld [smem:$0x3FB8];
	_ =	sdelay $0x3  }
0x36: {  	p1 =	seq.s32 s10, $0x1;
	s10 =	sld [smem:$0x3FB9];
	_ =	sdelay $0x3  }
0x37: {  	[smem:$0x3FB9] =	sst s10  }
0x38: {  	s10 =	sld [smem:$0x3FBA]  }
0x39: {  	_ = 	snop;
	(pc) =	sbr.ind lr, $3  }
0x3a: {  	_ = 	snop  }
0x3b: {  	_ = 	snop  }
0x3c: {  	p2 =	seq.s32 s10, $0x1;
	s10 =	sld [smem:$0x3FB9]  }
0x3d: {  	_ =	shalt  }
0x3e: {  	_ =	shalt  }
0x3f: {  	_ =	shalt  }
0x40: {  	_ =	shalt  }
0x41: {  	_ =	shalt  }
0x42: {  	_ =	shalt  }
0x43: {  	_ =	shalt  }
0x44: {  	_ =	shalt  }
0x45: {  	_ =	shalt  }
0x46: {  	_ =	shalt  }
0x47: {  	_ =	shalt  }
0x48: {  	_ =	shalt  }
0x49: {  	_ =	shalt  }
0x4a: {  	_ =	shalt  }
0x4b: {  	_ =	shalt  }
0x4c: {  	_ =	shalt  }
0x4d: {  	_ =	shalt  }
0x4e: {  	_ =	shalt  }
0x4f: {  	_ =	shalt  }
0x50: {  	_ =	shalt  }
0x51: {  	_ =	shalt  }
0x52: {  	_ =	shalt  }
0x53: {  	_ =	shalt  }
0x54: {  	_ =	shalt  }
0x55: {  	_ =	shalt  }
0x56: {  	_ =	shalt  }
0x57: {  	_ =	shalt  }
0x58: {  	_ =	shalt  }
0x59: {  	_ =	shalt  }
0x5a: {  	_ =	shalt  }
0x5b: {  	_ =	shalt  }
0x5c: {  	_ =	shalt  }
0x5d: {  	_ =	shalt  }
0x5e: {  	_ =	shalt  }
0x5f: {  	_ =	shalt  }
0x60: {  	_ =	shalt  }
0x61: {  	_ =	shalt  }
0x62: {  	_ =	shalt  }
0x63: {  	_ =	shalt  }
0x64: {  	_ =	shalt  }
0x65: {  	_ =	shalt  }
0x66: {  	_ =	shalt  }
0x67: {  	_ =	shalt  }
0x68: {  	_ =	shalt  }
0x69: {  	_ =	shalt  }
0x6a: {  	_ =	shalt  }
0x6b: {  	_ =	shalt  }
0x6c: {  	_ =	shalt  }
0x6d: {  	_ =	shalt  }
0x6e: {  	_ =	shalt  }
0x6f: {  	_ =	shalt  }
0x70: {  	_ =	shalt  }
0x71: {  	_ =	shalt  }
0x72: {  	_ =	shalt  }
0x73: {  	_ =	shalt  }
0x74: {  	_ =	shalt  }
0x75: {  	_ =	shalt  }
0x76: {  	_ =	shalt  }
0x77: {  	_ =	shalt  }
0x78: {  	_ =	shalt  }
0x79: {  	_ =	shalt  }
0x7a: {  	_ =	shalt  }
0x7b: {  	_ =	shalt  }
0x7c: {  	_ =	shalt  }
0x7d: {  	_ =	shalt  }
0x7e: {  	_ =	shalt  }
0x7f: {  	_ =	shalt  }
0x80: {  	_ =	shalt  }
0x81: {  	_ =	shalt  }
0x82: {  	_ =	shalt  }
0x83: {  	_ =	shalt  }
0x84: {  	_ =	shalt  }
0x85: {  	_ =	shalt  }
0x86: {  	_ =	shalt  }
0x87: {  	_ =	shalt  }
.Lfunc_end0:
.L_simem_size_0:
called_computation_lowered:
.L_overlay_start_0:
0x88: {  	s2 =	sld [smem:$0x3FD9]  }
0x89: {  	s3 =	sld [smem:$0x3FFE];
	_ =	sdelay $0x1  }
0x8a: {  	s1 =	srdreg.scid  }
0x8b: {  	s0 =	sand.u32 $0x1, s1  }
0x8c: {  	s15 =	sshll.u32 s0, $0xA;
	s2 =	sadd.s32 s3, s2  }
0x8d: {  	s2 =	sadd.s32 s2, s15  }
0x8e: {  	[smem:$0x3FC5] =	sst s2  }
0x8f: {  	_ = 	snop  }
0x90: {  	s2 =	sld [smem:$0x3FD0]  }
0x91: {  	s16 =	sld [smem:$0x3FC9]  }
0x92: {  	s4 =	sld [smem:$0x3FC8]  }
0x93: {  	s6 =	simm.s32 $0xA;
	s7 =	simm.s32 $0x10;
	s5 =	sld [smem:$0x3FC7]  }
0x94: {  	[smem:s7], [sflag:s6] =	dma.local [hbm:s2], $0x1  }
0x95: {  	_ =	swait.eq [sflag:s6], $0x1  }
0x96: {  	[sflag:s6] =	ssyncset.done $0x0  }
0x97: {  	s17 =	sld [smem:$0x10];
	[sflag:s6] =	ssyncadd.s32 $0xFFFFFFFF  }
0x98: {  	s18 =	sld [smem:$0x11];
	(tm) =	ssettm $0x1  }
0x99: {  	s19 =	sld [smem:$0x3FFB];
	_ =	sdelay $0x3  }
0x9a: {  	_ =	strace s19  }
0x9b: {  	s7 =	sld [smem:$0x3FFC];
	_ =	sdelay $0x3  }
0x9c: {  	_ =	strace s7  }
0x9d: {  	s7 =	sld [smem:$0x3FFD];
	_ =	sdelay $0x3  }
0x9e: {  	_ =	strace s7  }
0x9f: {  	_ =	strace $0x8FFFFFFF  }
0xa0: {  	s20 =	sld [smem:$0x3FDB];
	_ =	sdelay $0x1  }
0xa1: {  	s8 =	simm.s32 $_scs_section_size  }
0xa2: {  	s9 =	simm.s32 $_size__tile_overlayer_lowered;
	s10 =	simm.s32 $_tile_overlayer_lowered  }
0xa3: {  	s23 =	simm.s32 $0x1BFF;
	s22 =	sshll.u32 s10, $0x1;
	s7 =	sadd.s32 s8, s20  }
0xa4: {  	s11 =	simm.s32 $0x0;
	s21 =	sshll.u32 s9, $0x1;
	s9 =	sadd.s32 s22, s7  }
0xa5: {  	[timem:s11], [sflag:s23] =	dma.local [hbm:s9], s21  }
0xa6: {  	_ =	swait.ge [sflag:s23], s21  }
0xa7: {  	s8 =	ssub.s32 $0x0, s21;
	[sflag:s23] =	ssyncset.done $0x0  }
0xa8: {  	[sflag:s23] =	ssyncadd.s32 s8;
	_ =	sdelay $0x1  }
0xa9: {  	s24 =	simm.s32 $0x1B8B  }
0xaa: {  	_ =	swait.ge [sflag:s24], $0x1  }
0xab: {  	[sflag:s24] =	ssyncset.done $0x0  }
0xac: {  	s25 =	simm.s32 $0x1B8E;
	[sflag:s24] =	ssyncadd.s32 $0xFFFFFFFF  }
0xad: {  	s26 =	simm.s32 $execute0_lowered;
	[smem:$0x3FD2] =	sst s25  }
0xae: {  	s8 =	sshll.u32 s26, $0x1;
	_ =	strace $0x80000046;
	[dreg:$0x1] =	wrdreg $0xFFFFFFFF  }
0xaf: {  	s28 =	simm.s32 $_size_execute0_lowered;
	s7 =	sadd.s32 s7, s8;
	[dreg:$0x0] =	wrdreg $0x0  }
0xb0: {  	s8 =	sshll.u32 s28, $0x1;
	[dreg:$0x2] =	wrdreg s7  }
0xb1: {  	[dreg:$0x3] =	wrdreg s8  }
0xb2: {  	[dreg:$0x4] =	wrdreg $0xC0  }
0xb3: {  	_ =	task [dreg:s11], $0x5FFFF  }
0xb4: {  	[dreg:$0x1] =	wrdreg $0xFFFFFFFF  }
0xb5: {  	[dreg:$0x0] =	wrdreg $0x60  }
0xb6: {  	[dreg:$0x2] =	wrdreg s4  }
0xb7: {  	[dreg:$0x3] =	wrdreg s5  }
0xb8: {  	[dreg:$0x4] =	wrdreg s16  }
0xb9: {  	[dreg:$0x5] =	wrdreg s17  }
0xba: {  	[dreg:$0x6] =	wrdreg s18  }
0xbb: {  	[dreg:$0x7] =	wrdreg $0x9  }
0xbc: {  	_ =	task.clear_ibuf [dreg:s11], $0x8FFFF;
	_ =	strace $0x90000046  }
0xbd: {  	s29 =	simm.s32 $0x9;
	_ =	strace $0x80000048  }
0xbe: {  	_ =	swait.ge [sflag:s29], $0x1  }
0xbf: {  	[sflag:s29] =	ssyncadd.s32 $0xFFFFFFFF  }
0xc0: {  	_ =	strace $0x90000048  }
0xc1: {  	_ =	sfence  }
0xc2: {  	s30 =	sld [smem:$0x0];
	_ =	sdelay $0x2  }
0xc3: {  	s31 =	sshll.u32 s1, $0xD;
	s1 =	sshrl.u32 s1, $0x2  }
0xc4: {  	s3 =	sand.u32 $0x4000, s31;
	s1 =	sadd.s32 s1, s30  }
0xc5: {  	s0 =	sor.u32 s3, s0;
	s1 =	sshll.u32 s1, $0x11  }
0xc6: {  	s0 =	sor.u32 s1, s0  }
0xc7: {  	s0 =	sadd.s32 $0x8F2B, s0  }
0xc8: {  	[sflag:s0] =	ssyncadd.remote.s32 $0x1  }
0xc9: {  	_ =	sfence.sel $0xFFFF  }
0xca: {  	[dreg:$0x0] =	wrdreg $0xFFFFFFFF;
	(pc) =	sbr.abs _section_cstart, $3  }
0xcb: {  	[dreg:$0x1] =	wrdreg $0xFFFFFFFF  }
0xcc: {  	_ =	task.clear_ibuf [dreg:s11], $0x2FFFF;
	_ =	strace $0x9FFFFFFF  }
0xcd: {  	(tm) =	ssettm $0x7FFFFFFF  }
tec
execute0_lowered:
.L_overlay_start_1:
0x0: {  	(tag) =	ssettag $0x1  }
0x1: {  	s0 =	rddreg [dreg:$0x0]  }
0x2: {  	s2 =	rddreg [dreg:$0x1]  }
0x3: {  	s1 =	rddreg [dreg:$0x2]  }
0x4: {  	s11 =	rddreg [dreg:$0x3]  }
0x5: {  	s19 =	rddreg [dreg:$0x4];
	s3 =	simm.s32 $0x0  }
0x6: {  	s4 =	srdreg.scid;
	s6 =	stileid.u32;
	s22 =	simm.s32 $0x80  }
0x7: {  	s23 =	simm.s32 $0x400;
	s24 =	simm.s32 $0x3;
	s25 =	simm.s32 $0x1  }
0x8: {  	s26 =	simm.s32 $0x1C700;
	s28 =	simm.s32 $0x1DF00;
	s29 =	simm.s32 $0x2  }
0x9: {  	s30 =	simm.s32 $0x0;
	[smem:$0x7FF] =	sst s3;
	s4 =	sand.u32 $0x1, s4  }
0xa: {  	s5 =	sshll.u32 s6, $0x9;
	s6 =	sshrl.u32 s6, $0x1;
	s7 =	sshll.u32 s4, $0x8  }
0xb: {  	s5 =	sand.u32 $0x200, s5;
	s8 =	smul.u32 $0xC3800, s6;
	_ =	strace $0x80000047  }
0xc: {  	s9 =	sshll.u32 s6, $0x11;
	s4 =	ssub.s32 $0x2, s4;
	s7 =	sor.u32 s7, s5  }
0xd: {  	s10 =	sshrl.u32 s4, $0x1;
	s5 =	sor.u32 s8, s7;
	s6 =	sor.u32 s9, s7  }
0xe: {  	s20 =	ssub.s32 s4, s10;
	s7 =	sor.u32 $0x80, s7;
	s12 =	sshrl.u32 s5, $0x3  }
0xf: {  	s13 =	sshrl.u32 s6, $0x3;
	s8 =	sor.u32 s8, s7;
	s9 =	sor.u32 s9, s7  }
0x10: {  	s20 =	smax.u32 s20, $0x1;
	s4 =	sadd.s32 s0, s12;
	s14 =	sor.u32 $0x1800, s13  }
0x11: {  	s5 =	sadd.s32 s11, s13;
	s15 =	sor.u32 $0x3000, s13;
	s16 =	sshrl.u32 s8, $0x3  }
0x12: {  	s17 =	sshrl.u32 s9, $0x3;
	s12 =	sadd.s32 s2, s12;
	s13 =	sadd.s32 s19, s13  }
0x13: {  	s6 =	sadd.s32 s11, s14;
	s7 =	sadd.s32 s11, s15;
	s8 =	sadd.s32 s0, s16  }
0x14: {  	s31 =	sor.u32 $0x1800, s17;
	s21 =	sor.u32 $0x3000, s17;
	s9 =	sadd.s32 s11, s17  }
0x15: {  	s14 =	sadd.s32 s19, s14;
	s15 =	sadd.s32 s19, s15;
	s16 =	sadd.s32 s2, s16  }
0x16: {  	s17 =	sadd.s32 s19, s17;
	s10 =	sadd.s32 s11, s31;
	s11 =	sadd.s32 s11, s21  }
0x17: {  	s18 =	sadd.s32 s19, s31;
	s19 =	sadd.s32 s19, s21;
	s21 =	simm.s32 $0x18700  }
.LBB2_1:
0x18: {  	[tilespmem:s21], [sflag:$0x1] =	stream.linear.gather [hbm4b:s1+s3], $0x4000, $0x38;
	[tilespmem:$0x1F700] =	vst v63  }
0x19: {  	_ = 	snop  }
0x1a: {  	[tilespmem:s3], [sflag:$0x3] =	stream.strided.gather [hbm4b:s4+s22], $0x18700, s23, s22, $0x38;
	[tilespmem:$0x1F700] =	vst v63  }
0x1b: {  	_ =	swait.ge [sflag:s24], $0x18700  }
0x1c: {  	[sflag:s24] =	ssyncset.done $0x0  }
0x1d: {  	[sflag:s24] =	ssyncadd.s32 $0xFFFE7900  }
0x1e: {  	_ =	swait.ge [sflag:s25], $0x4000  }
0x1f: {  	[sflag:s25] =	ssyncset.done $0x0  }
0x20: {  	s0 =	simm.s32 $0x18740;
	[sflag:s25] =	ssyncadd.s32 $0xFFFFC000  }
0x21: {  	v0 =	vld [tilespmem:s0+$0x30]  }
0x22: {  	v1 =	vld [tilespmem:s0+$0xFFFFFFD0]  }
0x23: {  	v2 =	vld [tilespmem:s0+$0xFFFFFFE0]  }
0x24: {  	v3 =	vld [tilespmem:s0+$0xFFFFFFF0]  }
0x25: {  	v4 =	vld [tilespmem:s0+$0x0]  }
0x26: {  	v6 =	vld [tilespmem:s0+$0x10]  }
0x27: {  	v7 =	vld [tilespmem:s0+$0x20]  }
0x28: {  	v8 =	vld [tilespmem:s0+$0xFFFFFFC0]  }
0x29: {  	v9 =	vld.idx.msk [tilespmem:v0+s3+$0x0], $0xffff  }
0x2a: {  	v10 =	vld.idx.msk [tilespmem:v1+s3+$0x0], $0xffff  }
0x2b: {  	v5 =	vld.idx.msk [tilespmem:v2+s3+$0x0], $0xffff  }
0x2c: {  	v3 =	vld.idx.msk [tilespmem:v3+s3+$0x0], $0xffff  }
0x2d: {  	v0 =	vld.idx.msk [tilespmem:v4+s3+$0x0], $0xffff  }
0x2e: {  	s0 =	simm.s32 $0x1C740;
	v1 =	vld.idx.msk [tilespmem:v6+s3+$0x0], $0xffff  }
0x2f: {  	v2 =	vld.idx.msk [tilespmem:v7+s3+$0x0], $0xffff;
	[tilespmem:s0+$0x30] =	vst v9  }
0x30: {  	s2 =	simm.s32 $0x0;
	s31 =	simm.s32 $0x187C0;
	v4 =	vld.idx.msk [tilespmem:v8+s3+$0x0], $0xffff;
	[tilespmem:s0+$0xFFFFFFD0] =	vst v10  }
.LBB2_2:
0x31: {  	v6 =	vld [tilespmem:s31+$0x30];
	s2 =	sadd.s32 $0x80, s2;
	[tilespmem:s0+$0xFFFFFFE0] =	vst v5  }
0x32: {  	v5 =	vld [tilespmem:s31+$0xFFFFFFD0];
	p0 =	slt.u32 s2, $0x1780;
	[tilespmem:s0+$0xFFFFFFF0] =	vst v3  }
0x33: {  	v3 =	vld [tilespmem:s31+$0xFFFFFFE0];
	[tilespmem:s0+$0x0] =	vst v0  }
0x34: {  	v0 =	vld [tilespmem:s31+$0xFFFFFFF0];
	[tilespmem:s0+$0x10] =	vst v1  }
0x35: {  	v1 =	vld [tilespmem:s31+$0x0];
	[tilespmem:s0+$0x20] =	vst v2  }
0x36: {  	v2 =	vld [tilespmem:s31+$0x10];
	[tilespmem:s0+$0xFFFFFFC0] =	vst v4  }
0x37: {  	v4 =	vld [tilespmem:s31+$0x20]  }
0x38: {  	v7 =	vld [tilespmem:s31+$0xFFFFFFC0]  }
0x39: {  	v6 =	vld.idx.msk [tilespmem:v6+s3+$0x0], $0xffff  }
0x3a: {  	v8 =	vld.idx.msk [tilespmem:v5+s3+$0x0], $0xffff  }
0x3b: {  	v5 =	vld.idx.msk [tilespmem:v3+s3+$0x0], $0xffff  }
.Ltmp0:
0x3c: {  	v3 =	vld.idx.msk [tilespmem:v0+s3+$0x0], $0xffff;
	(pc) =	sbr.rel @p0 .LBB2_2-.Ltmp0, $4  }
0x3d: {  	v0 =	vld.idx.msk [tilespmem:v1+s3+$0x0], $0xffff  }
0x3e: {  	s0 =	sadd.s32 $0x80, s0;
	v1 =	vld.idx.msk [tilespmem:v2+s3+$0x0], $0xffff  }
0x3f: {  	v2 =	vld.idx.msk [tilespmem:v4+s3+$0x0], $0xffff;
	[tilespmem:s0+$0x30] =	vst v6  }
0x40: {  	s31 =	sadd.s32 $0x80, s31;
	v4 =	vld.idx.msk [tilespmem:v7+s3+$0x0], $0xffff;
	[tilespmem:s0+$0xFFFFFFD0] =	vst v8  }
0x41: {  	[tilespmem:s0+$0xFFFFFFE0] =	vst v5  }
0x42: {  	[tilespmem:s0+$0xFFFFFFF0] =	vst v3  }
0x43: {  	[tilespmem:s0+$0x0] =	vst v0  }
0x44: {  	[tilespmem:s0+$0x10] =	vst v1  }
0x45: {  	[tilespmem:s0+$0x20] =	vst v2  }
0x46: {  	s2 =	simm.s32 $0x19F70;
	[tilespmem:s0+$0xFFFFFFC0] =	vst v4  }
0x47: {  	[hbm4b:s5+s22] =	stream.strided.scatter [tilespmem:s26], [sflag:$0x2], $0x1800, s23, s22, $0x38;
	[tilespmem:$0x1F700] =	vst v63  }
0x48: {  	v0 =	vld [tilespmem:s2+$0x0]  }
0x49: {  	v1 =	vld [tilespmem:s2+$0xFFFFFFA0]  }
0x4a: {  	v2 =	vld [tilespmem:s2+$0xFFFFFFB0]  }
0x4b: {  	v3 =	vld [tilespmem:s2+$0xFFFFFFC0]  }
0x4c: {  	v4 =	vld [tilespmem:s2+$0xFFFFFFD0]  }
0x4d: {  	v6 =	vld [tilespmem:s2+$0xFFFFFFE0]  }
0x4e: {  	v7 =	vld [tilespmem:s2+$0xFFFFFFF0]  }
0x4f: {  	v8 =	vld [tilespmem:s2+$0xFFFFFF90]  }
0x50: {  	v9 =	vld.idx.msk [tilespmem:v0+s3+$0x0], $0xffff  }
0x51: {  	v10 =	vld.idx.msk [tilespmem:v1+s3+$0x0], $0xffff  }
0x52: {  	v5 =	vld.idx.msk [tilespmem:v2+s3+$0x0], $0xffff  }
0x53: {  	v3 =	vld.idx.msk [tilespmem:v3+s3+$0x0], $0xffff  }
0x54: {  	v0 =	vld.idx.msk [tilespmem:v4+s3+$0x0], $0xffff  }
0x55: {  	s0 =	simm.s32 $0x1DF70;
	v1 =	vld.idx.msk [tilespmem:v6+s3+$0x0], $0xffff  }
0x56: {  	v2 =	vld.idx.msk [tilespmem:v7+s3+$0x0], $0xffff;
	[tilespmem:s0+$0x0] =	vst v9  }
0x57: {  	s31 =	simm.s32 $0x19FF0;
	s2 =	simm.s32 $0x0;
	v4 =	vld.idx.msk [tilespmem:v8+s3+$0x0], $0xffff;
	[tilespmem:s0+$0xFFFFFFA0] =	vst v10  }
.LBB2_4:
0x58: {  	v6 =	vld [tilespmem:s31+$0x0];
	s2 =	sadd.s32 $0x80, s2;
	[tilespmem:s0+$0xFFFFFFB0] =	vst v5  }
0x59: {  	v5 =	vld [tilespmem:s31+$0xFFFFFFA0];
	p0 =	slt.u32 s2, $0x1780;
	[tilespmem:s0+$0xFFFFFFC0] =	vst v3  }
0x5a: {  	v3 =	vld [tilespmem:s31+$0xFFFFFFB0];
	[tilespmem:s0+$0xFFFFFFD0] =	vst v0  }
0x5b: {  	v0 =	vld [tilespmem:s31+$0xFFFFFFC0];
	[tilespmem:s0+$0xFFFFFFE0] =	vst v1  }
0x5c: {  	v1 =	vld [tilespmem:s31+$0xFFFFFFD0];
	[tilespmem:s0+$0xFFFFFFF0] =	vst v2  }
0x5d: {  	v2 =	vld [tilespmem:s31+$0xFFFFFFE0];
	[tilespmem:s0+$0xFFFFFF90] =	vst v4  }
0x5e: {  	v4 =	vld [tilespmem:s31+$0xFFFFFFF0]  }
0x5f: {  	v7 =	vld [tilespmem:s31+$0xFFFFFF90]  }
0x60: {  	v6 =	vld.idx.msk [tilespmem:v6+s3+$0x0], $0xffff  }
0x61: {  	v8 =	vld.idx.msk [tilespmem:v5+s3+$0x0], $0xffff  }
0x62: {  	v5 =	vld.idx.msk [tilespmem:v3+s3+$0x0], $0xffff  }
.Ltmp1:
0x63: {  	v3 =	vld.idx.msk [tilespmem:v0+s3+$0x0], $0xffff;
	(pc) =	sbr.rel @p0 .LBB2_4-.Ltmp1, $4  }
0x64: {  	v0 =	vld.idx.msk [tilespmem:v1+s3+$0x0], $0xffff  }
0x65: {  	s0 =	sadd.s32 $0x80, s0;
	v1 =	vld.idx.msk [tilespmem:v2+s3+$0x0], $0xffff  }
0x66: {  	v2 =	vld.idx.msk [tilespmem:v4+s3+$0x0], $0xffff;
	[tilespmem:s0+$0x0] =	vst v6  }
0x67: {  	s31 =	sadd.s32 $0x80, s31;
	v4 =	vld.idx.msk [tilespmem:v7+s3+$0x0], $0xffff;
	[tilespmem:s0+$0xFFFFFFA0] =	vst v8  }
0x68: {  	[tilespmem:s0+$0xFFFFFFB0] =	vst v5  }
0x69: {  	[tilespmem:s0+$0xFFFFFFC0] =	vst v3  }
0x6a: {  	[tilespmem:s0+$0xFFFFFFD0] =	vst v0  }
0x6b: {  	[tilespmem:s0+$0xFFFFFFE0] =	vst v1  }
0x6c: {  	[tilespmem:s0+$0xFFFFFFF0] =	vst v2  }
0x6d: {  	[tilespmem:s0+$0xFFFFFF90] =	vst v4  }
0x6e: {  	[hbm4b:s6+s22] =	stream.strided.scatter [tilespmem:s28], [sflag:$0x2], $0x1800, s23, s22, $0x38;
	[tilespmem:$0x1F700] =	vst v63  }
0x6f: {  	_ =	swait.ge [sflag:s29], $0x1800  }
0x70: {  	[sflag:s29] =	ssyncset.done $0x0  }
0x71: {  	s2 =	simm.s32 $0x1B770;
	[sflag:s29] =	ssyncadd.s32 $0xFFFFE800  }
0x72: {  	v0 =	vld [tilespmem:s2+$0x0]  }
0x73: {  	v1 =	vld [tilespmem:s2+$0xFFFFFFA0]  }
0x74: {  	v2 =	vld [tilespmem:s2+$0xFFFFFFB0]  }
0x75: {  	v3 =	vld [tilespmem:s2+$0xFFFFFFC0]  }
0x76: {  	v4 =	vld [tilespmem:s2+$0xFFFFFFD0]  }
0x77: {  	v6 =	vld [tilespmem:s2+$0xFFFFFFE0]  }
0x78: {  	v7 =	vld [tilespmem:s2+$0xFFFFFFF0]  }
0x79: {  	v8 =	vld [tilespmem:s2+$0xFFFFFF90]  }
0x7a: {  	v9 =	vld.idx.msk [tilespmem:v0+s3+$0x0], $0xffff  }
0x7b: {  	v10 =	vld.idx.msk [tilespmem:v1+s3+$0x0], $0xffff  }
0x7c: {  	v5 =	vld.idx.msk [tilespmem:v2+s3+$0x0], $0xffff  }
0x7d: {  	v3 =	vld.idx.msk [tilespmem:v3+s3+$0x0], $0xffff  }
0x7e: {  	v0 =	vld.idx.msk [tilespmem:v4+s3+$0x0], $0xffff  }
0x7f: {  	s0 =	simm.s32 $0x1C740;
	v1 =	vld.idx.msk [tilespmem:v6+s3+$0x0], $0xffff  }
0x80: {  	v2 =	vld.idx.msk [tilespmem:v7+s3+$0x0], $0xffff;
	[tilespmem:s0+$0x30] =	vst v9  }
0x81: {  	s31 =	simm.s32 $0x1B7F0;
	s2 =	simm.s32 $0x0;
	v4 =	vld.idx.msk [tilespmem:v8+s3+$0x0], $0xffff;
	[tilespmem:s0+$0xFFFFFFD0] =	vst v10  }
.LBB2_6:
0x82: {  	v6 =	vld [tilespmem:s31+$0x0];
	s2 =	sadd.s32 $0x80, s2;
	[tilespmem:s0+$0xFFFFFFE0] =	vst v5  }
0x83: {  	v5 =	vld [tilespmem:s31+$0xFFFFFFA0];
	p0 =	slt.u32 s2, $0xF80;
	[tilespmem:s0+$0xFFFFFFF0] =	vst v3  }
0x84: {  	v3 =	vld [tilespmem:s31+$0xFFFFFFB0];
	[tilespmem:s0+$0x0] =	vst v0  }
0x85: {  	v0 =	vld [tilespmem:s31+$0xFFFFFFC0];
	[tilespmem:s0+$0x10] =	vst v1  }
0x86: {  	v1 =	vld [tilespmem:s31+$0xFFFFFFD0];
	[tilespmem:s0+$0x20] =	vst v2  }
0x87: {  	v2 =	vld [tilespmem:s31+$0xFFFFFFE0];
	[tilespmem:s0+$0xFFFFFFC0] =	vst v4  }
0x88: {  	v4 =	vld [tilespmem:s31+$0xFFFFFFF0]  }
0x89: {  	v7 =	vld [tilespmem:s31+$0xFFFFFF90]  }
0x8a: {  	v6 =	vld.idx.msk [tilespmem:v6+s3+$0x0], $0xffff  }
0x8b: {  	v8 =	vld.idx.msk [tilespmem:v5+s3+$0x0], $0xffff  }
0x8c: {  	v5 =	vld.idx.msk [tilespmem:v3+s3+$0x0], $0xffff  }
.Ltmp2:
0x8d: {  	v3 =	vld.idx.msk [tilespmem:v0+s3+$0x0], $0xffff;
	(pc) =	sbr.rel @p0 .LBB2_6-.Ltmp2, $4  }
0x8e: {  	v0 =	vld.idx.msk [tilespmem:v1+s3+$0x0], $0xffff  }
0x8f: {  	s0 =	sadd.s32 $0x80, s0;
	v1 =	vld.idx.msk [tilespmem:v2+s3+$0x0], $0xffff  }
0x90: {  	v2 =	vld.idx.msk [tilespmem:v4+s3+$0x0], $0xffff;
	[tilespmem:s0+$0x30] =	vst v6  }
0x91: {  	s31 =	sadd.s32 $0x80, s31;
	v4 =	vld.idx.msk [tilespmem:v7+s3+$0x0], $0xffff;
	[tilespmem:s0+$0xFFFFFFD0] =	vst v8  }
0x92: {  	[tilespmem:s0+$0xFFFFFFE0] =	vst v5  }
0x93: {  	[tilespmem:s0+$0xFFFFFFF0] =	vst v3  }
0x94: {  	[tilespmem:s0+$0x0] =	vst v0  }
0x95: {  	[tilespmem:s0+$0x10] =	vst v1  }
0x96: {  	[tilespmem:s0+$0x20] =	vst v2  }
0x97: {  	[tilespmem:s0+$0xFFFFFFC0] =	vst v4  }
0x98: {  	[hbm4b:s7+s22] =	stream.strided.scatter [tilespmem:s26], [sflag:$0x2], $0x1000, s23, s22, $0x38;
	[tilespmem:$0x1F700] =	vst v63  }
0x99: {  	_ = 	snop  }
0x9a: {  	[tilespmem:s3], [sflag:$0x3] =	stream.strided.gather [hbm4b:s8+s22], $0x18700, s23, s22, $0x38;
	[tilespmem:$0x1F700] =	vst v63  }
0x9b: {  	_ =	swait.ge [sflag:s24], $0x18700  }
0x9c: {  	[sflag:s24] =	ssyncset.done $0x0  }
0x9d: {  	[sflag:s24] =	ssyncadd.s32 $0xFFFE7900  }
0x9e: {  	_ =	swait.ge [sflag:s29], $0x1800  }
0x9f: {  	[sflag:s29] =	ssyncset.done $0x0  }
0xa0: {  	s2 =	simm.s32 $0x18740;
	[sflag:s29] =	ssyncadd.s32 $0xFFFFE800  }
0xa1: {  	v0 =	vld [tilespmem:s2+$0x30]  }
0xa2: {  	v1 =	vld [tilespmem:s2+$0xFFFFFFD0]  }
0xa3: {  	v2 =	vld [tilespmem:s2+$0xFFFFFFE0]  }
0xa4: {  	v3 =	vld [tilespmem:s2+$0xFFFFFFF0]  }
0xa5: {  	v4 =	vld [tilespmem:s2+$0x0]  }
0xa6: {  	v6 =	vld [tilespmem:s2+$0x10]  }
0xa7: {  	v7 =	vld [tilespmem:s2+$0x20]  }
0xa8: {  	v8 =	vld [tilespmem:s2+$0xFFFFFFC0]  }
0xa9: {  	v9 =	vld.idx.msk [tilespmem:v0+s3+$0x0], $0xffff  }
0xaa: {  	v10 =	vld.idx.msk [tilespmem:v1+s3+$0x0], $0xffff  }
0xab: {  	v5 =	vld.idx.msk [tilespmem:v2+s3+$0x0], $0xffff  }
0xac: {  	v3 =	vld.idx.msk [tilespmem:v3+s3+$0x0], $0xffff  }
0xad: {  	v0 =	vld.idx.msk [tilespmem:v4+s3+$0x0], $0xffff  }
0xae: {  	s0 =	simm.s32 $0x1DF70;
	v1 =	vld.idx.msk [tilespmem:v6+s3+$0x0], $0xffff  }
0xaf: {  	v2 =	vld.idx.msk [tilespmem:v7+s3+$0x0], $0xffff;
	[tilespmem:s0+$0x0] =	vst v9  }
0xb0: {  	s31 =	simm.s32 $0x187C0;
	s2 =	simm.s32 $0x0;
	v4 =	vld.idx.msk [tilespmem:v8+s3+$0x0], $0xffff;
	[tilespmem:s0+$0xFFFFFFA0] =	vst v10  }
.LBB2_8:
0xb1: {  	v6 =	vld [tilespmem:s31+$0x30];
	s2 =	sadd.s32 $0x80, s2;
	[tilespmem:s0+$0xFFFFFFB0] =	vst v5  }
0xb2: {  	v5 =	vld [tilespmem:s31+$0xFFFFFFD0];
	p0 =	slt.u32 s2, $0x1780;
	[tilespmem:s0+$0xFFFFFFC0] =	vst v3  }
0xb3: {  	v3 =	vld [tilespmem:s31+$0xFFFFFFE0];
	[tilespmem:s0+$0xFFFFFFD0] =	vst v0  }
0xb4: {  	v0 =	vld [tilespmem:s31+$0xFFFFFFF0];
	[tilespmem:s0+$0xFFFFFFE0] =	vst v1  }
0xb5: {  	v1 =	vld [tilespmem:s31+$0x0];
	[tilespmem:s0+$0xFFFFFFF0] =	vst v2  }
0xb6: {  	v2 =	vld [tilespmem:s31+$0x10];
	[tilespmem:s0+$0xFFFFFF90] =	vst v4  }
0xb7: {  	v4 =	vld [tilespmem:s31+$0x20]  }
0xb8: {  	v7 =	vld [tilespmem:s31+$0xFFFFFFC0]  }
0xb9: {  	v6 =	vld.idx.msk [tilespmem:v6+s3+$0x0], $0xffff  }
0xba: {  	v8 =	vld.idx.msk [tilespmem:v5+s3+$0x0], $0xffff  }
0xbb: {  	v5 =	vld.idx.msk [tilespmem:v3+s3+$0x0], $0xffff  }
.Ltmp3:
0xbc: {  	v3 =	vld.idx.msk [tilespmem:v0+s3+$0x0], $0xffff;
	(pc) =	sbr.rel @p0 .LBB2_8-.Ltmp3, $4  }
0xbd: {  	v0 =	vld.idx.msk [tilespmem:v1+s3+$0x0], $0xffff  }
0xbe: {  	s0 =	sadd.s32 $0x80, s0;
	v1 =	vld.idx.msk [tilespmem:v2+s3+$0x0], $0xffff  }
0xbf: {  	v2 =	vld.idx.msk [tilespmem:v4+s3+$0x0], $0xffff;
	[tilespmem:s0+$0x0] =	vst v6  }
0xc0: {  	s31 =	sadd.s32 $0x80, s31;
	v4 =	vld.idx.msk [tilespmem:v7+s3+$0x0], $0xffff;
	[tilespmem:s0+$0xFFFFFFA0] =	vst v8  }
0xc1: {  	[tilespmem:s0+$0xFFFFFFB0] =	vst v5  }
0xc2: {  	[tilespmem:s0+$0xFFFFFFC0] =	vst v3  }
0xc3: {  	[tilespmem:s0+$0xFFFFFFD0] =	vst v0  }
0xc4: {  	[tilespmem:s0+$0xFFFFFFE0] =	vst v1  }
0xc5: {  	[tilespmem:s0+$0xFFFFFFF0] =	vst v2  }
0xc6: {  	[tilespmem:s0+$0xFFFFFF90] =	vst v4  }
0xc7: {  	[hbm4b:s9+s22] =	stream.strided.scatter [tilespmem:s28], [sflag:$0x2], $0x1800, s23, s22, $0x38;
	[tilespmem:$0x1F700] =	vst v63  }
0xc8: {  	_ =	swait.ge [sflag:s29], $0x1000  }
0xc9: {  	[sflag:s29] =	ssyncset.done $0x0  }
0xca: {  	s2 =	simm.s32 $0x19F70;
	[sflag:s29] =	ssyncadd.s32 $0xFFFFF000  }
0xcb: {  	v0 =	vld [tilespmem:s2+$0x0]  }
0xcc: {  	v1 =	vld [tilespmem:s2+$0xFFFFFFA0]  }
0xcd: {  	v2 =	vld [tilespmem:s2+$0xFFFFFFB0]  }
0xce: {  	v3 =	vld [tilespmem:s2+$0xFFFFFFC0]  }
0xcf: {  	v4 =	vld [tilespmem:s2+$0xFFFFFFD0]  }
0xd0: {  	v6 =	vld [tilespmem:s2+$0xFFFFFFE0]  }
0xd1: {  	v7 =	vld [tilespmem:s2+$0xFFFFFFF0]  }
0xd2: {  	v8 =	vld [tilespmem:s2+$0xFFFFFF90]  }
0xd3: {  	v9 =	vld.idx.msk [tilespmem:v0+s3+$0x0], $0xffff  }
0xd4: {  	v10 =	vld.idx.msk [tilespmem:v1+s3+$0x0], $0xffff  }
0xd5: {  	v5 =	vld.idx.msk [tilespmem:v2+s3+$0x0], $0xffff  }
0xd6: {  	v3 =	vld.idx.msk [tilespmem:v3+s3+$0x0], $0xffff  }
0xd7: {  	v0 =	vld.idx.msk [tilespmem:v4+s3+$0x0], $0xffff  }
0xd8: {  	s0 =	simm.s32 $0x1C740;
	v1 =	vld.idx.msk [tilespmem:v6+s3+$0x0], $0xffff  }
0xd9: {  	v2 =	vld.idx.msk [tilespmem:v7+s3+$0x0], $0xffff;
	[tilespmem:s0+$0x30] =	vst v9  }
0xda: {  	s31 =	simm.s32 $0x19FF0;
	s2 =	simm.s32 $0x0;
	v4 =	vld.idx.msk [tilespmem:v8+s3+$0x0], $0xffff;
	[tilespmem:s0+$0xFFFFFFD0] =	vst v10  }
.LBB2_10:
0xdb: {  	v6 =	vld [tilespmem:s31+$0x0];
	s2 =	sadd.s32 $0x80, s2;
	[tilespmem:s0+$0xFFFFFFE0] =	vst v5  }
0xdc: {  	v5 =	vld [tilespmem:s31+$0xFFFFFFA0];
	p0 =	slt.u32 s2, $0x1780;
	[tilespmem:s0+$0xFFFFFFF0] =	vst v3  }
0xdd: {  	v3 =	vld [tilespmem:s31+$0xFFFFFFB0];
	[tilespmem:s0+$0x0] =	vst v0  }
0xde: {  	v0 =	vld [tilespmem:s31+$0xFFFFFFC0];
	[tilespmem:s0+$0x10] =	vst v1  }
0xdf: {  	v1 =	vld [tilespmem:s31+$0xFFFFFFD0];
	[tilespmem:s0+$0x20] =	vst v2  }
0xe0: {  	v2 =	vld [tilespmem:s31+$0xFFFFFFE0];
	[tilespmem:s0+$0xFFFFFFC0] =	vst v4  }
0xe1: {  	v4 =	vld [tilespmem:s31+$0xFFFFFFF0]  }
0xe2: {  	v7 =	vld [tilespmem:s31+$0xFFFFFF90]  }
0xe3: {  	v6 =	vld.idx.msk [tilespmem:v6+s3+$0x0], $0xffff  }
0xe4: {  	v8 =	vld.idx.msk [tilespmem:v5+s3+$0x0], $0xffff  }
0xe5: {  	v5 =	vld.idx.msk [tilespmem:v3+s3+$0x0], $0xffff  }
.Ltmp4:
0xe6: {  	v3 =	vld.idx.msk [tilespmem:v0+s3+$0x0], $0xffff;
	(pc) =	sbr.rel @p0 .LBB2_10-.Ltmp4, $4  }
0xe7: {  	v0 =	vld.idx.msk [tilespmem:v1+s3+$0x0], $0xffff  }
0xe8: {  	s0 =	sadd.s32 $0x80, s0;
	v1 =	vld.idx.msk [tilespmem:v2+s3+$0x0], $0xffff  }
0xe9: {  	v2 =	vld.idx.msk [tilespmem:v4+s3+$0x0], $0xffff;
	[tilespmem:s0+$0x30] =	vst v6  }
0xea: {  	s31 =	sadd.s32 $0x80, s31;
	v4 =	vld.idx.msk [tilespmem:v7+s3+$0x0], $0xffff;
	[tilespmem:s0+$0xFFFFFFD0] =	vst v8  }
0xeb: {  	[tilespmem:s0+$0xFFFFFFE0] =	vst v5  }
0xec: {  	[tilespmem:s0+$0xFFFFFFF0] =	vst v3  }
0xed: {  	[tilespmem:s0+$0x0] =	vst v0  }
0xee: {  	[tilespmem:s0+$0x10] =	vst v1  }
0xef: {  	[tilespmem:s0+$0x20] =	vst v2  }
0xf0: {  	[tilespmem:s0+$0xFFFFFFC0] =	vst v4  }
0xf1: {  	[hbm4b:s10+s22] =	stream.strided.scatter [tilespmem:s26], [sflag:$0x2], $0x1800, s23, s22, $0x38;
	[tilespmem:$0x1F700] =	vst v63  }
0xf2: {  	_ =	swait.ge [sflag:s29], $0x1800  }
0xf3: {  	[sflag:s29] =	ssyncset.done $0x0  }
0xf4: {  	s2 =	simm.s32 $0x1B770;
	[sflag:s29] =	ssyncadd.s32 $0xFFFFE800  }
0xf5: {  	v0 =	vld [tilespmem:s2+$0x0]  }
0xf6: {  	v1 =	vld [tilespmem:s2+$0xFFFFFFA0]  }
0xf7: {  	v2 =	vld [tilespmem:s2+$0xFFFFFFB0]  }
0xf8: {  	v3 =	vld [tilespmem:s2+$0xFFFFFFC0]  }
0xf9: {  	v4 =	vld [tilespmem:s2+$0xFFFFFFD0]  }
0xfa: {  	v6 =	vld [tilespmem:s2+$0xFFFFFFE0]  }
0xfb: {  	v7 =	vld [tilespmem:s2+$0xFFFFFFF0]  }
0xfc: {  	v8 =	vld [tilespmem:s2+$0xFFFFFF90]  }
0xfd: {  	v9 =	vld.idx.msk [tilespmem:v0+s3+$0x0], $0xffff  }
0xfe: {  	v10 =	vld.idx.msk [tilespmem:v1+s3+$0x0], $0xffff  }
0xff: {  	v5 =	vld.idx.msk [tilespmem:v2+s3+$0x0], $0xffff  }
0x100: {  	v3 =	vld.idx.msk [tilespmem:v3+s3+$0x0], $0xffff  }
0x101: {  	v0 =	vld.idx.msk [tilespmem:v4+s3+$0x0], $0xffff  }
0x102: {  	s0 =	simm.s32 $0x1DF70;
	v1 =	vld.idx.msk [tilespmem:v6+s3+$0x0], $0xffff  }
0x103: {  	v2 =	vld.idx.msk [tilespmem:v7+s3+$0x0], $0xffff;
	[tilespmem:s0+$0x0] =	vst v9  }
0x104: {  	s31 =	simm.s32 $0x1B7F0;
	s2 =	simm.s32 $0x0;
	v4 =	vld.idx.msk [tilespmem:v8+s3+$0x0], $0xffff;
	[tilespmem:s0+$0xFFFFFFA0] =	vst v10  }
.LBB2_12:
0x105: {  	v6 =	vld [tilespmem:s31+$0x0];
	s2 =	sadd.s32 $0x80, s2;
	[tilespmem:s0+$0xFFFFFFB0] =	vst v5  }
0x106: {  	v5 =	vld [tilespmem:s31+$0xFFFFFFA0];
	p0 =	slt.u32 s2, $0xF80;
	[tilespmem:s0+$0xFFFFFFC0] =	vst v3  }
0x107: {  	v3 =	vld [tilespmem:s31+$0xFFFFFFB0];
	[tilespmem:s0+$0xFFFFFFD0] =	vst v0  }
0x108: {  	v0 =	vld [tilespmem:s31+$0xFFFFFFC0];
	[tilespmem:s0+$0xFFFFFFE0] =	vst v1  }
0x109: {  	v1 =	vld [tilespmem:s31+$0xFFFFFFD0];
	[tilespmem:s0+$0xFFFFFFF0] =	vst v2  }
0x10a: {  	v2 =	vld [tilespmem:s31+$0xFFFFFFE0];
	[tilespmem:s0+$0xFFFFFF90] =	vst v4  }
0x10b: {  	v4 =	vld [tilespmem:s31+$0xFFFFFFF0]  }
0x10c: {  	v7 =	vld [tilespmem:s31+$0xFFFFFF90]  }
0x10d: {  	v6 =	vld.idx.msk [tilespmem:v6+s3+$0x0], $0xffff  }
0x10e: {  	v8 =	vld.idx.msk [tilespmem:v5+s3+$0x0], $0xffff  }
0x10f: {  	v5 =	vld.idx.msk [tilespmem:v3+s3+$0x0], $0xffff  }
.Ltmp5:
0x110: {  	v3 =	vld.idx.msk [tilespmem:v0+s3+$0x0], $0xffff;
	(pc) =	sbr.rel @p0 .LBB2_12-.Ltmp5, $4  }
0x111: {  	v0 =	vld.idx.msk [tilespmem:v1+s3+$0x0], $0xffff  }
0x112: {  	s0 =	sadd.s32 $0x80, s0;
	v1 =	vld.idx.msk [tilespmem:v2+s3+$0x0], $0xffff  }
0x113: {  	v2 =	vld.idx.msk [tilespmem:v4+s3+$0x0], $0xffff;
	[tilespmem:s0+$0x0] =	vst v6  }
0x114: {  	s31 =	sadd.s32 $0x80, s31;
	v4 =	vld.idx.msk [tilespmem:v7+s3+$0x0], $0xffff;
	[tilespmem:s0+$0xFFFFFFA0] =	vst v8  }
0x115: {  	[tilespmem:s0+$0xFFFFFFB0] =	vst v5  }
0x116: {  	[tilespmem:s0+$0xFFFFFFC0] =	vst v3  }
0x117: {  	[tilespmem:s0+$0xFFFFFFD0] =	vst v0  }
0x118: {  	[tilespmem:s0+$0xFFFFFFE0] =	vst v1  }
0x119: {  	[tilespmem:s0+$0xFFFFFFF0] =	vst v2  }
0x11a: {  	[tilespmem:s0+$0xFFFFFF90] =	vst v4  }
0x11b: {  	[hbm4b:s11+s22] =	stream.strided.scatter [tilespmem:s28], [sflag:$0x2], $0x1000, s23, s22, $0x38;
	[tilespmem:$0x1F700] =	vst v63  }
0x11c: {  	_ = 	snop  }
0x11d: {  	[tilespmem:s3], [sflag:$0x3] =	stream.strided.gather [hbm4b:s12+s22], $0x18700, s23, s22, $0x38;
	[tilespmem:$0x1F700] =	vst v63  }
0x11e: {  	_ =	swait.ge [sflag:s24], $0x18700  }
0x11f: {  	[sflag:s24] =	ssyncset.done $0x0  }
0x120: {  	[sflag:s24] =	ssyncadd.s32 $0xFFFE7900  }
0x121: {  	_ =	swait.ge [sflag:s29], $0x1800  }
0x122: {  	[sflag:s29] =	ssyncset.done $0x0  }
0x123: {  	s2 =	simm.s32 $0x18740;
	[sflag:s29] =	ssyncadd.s32 $0xFFFFE800  }
0x124: {  	v0 =	vld [tilespmem:s2+$0x30]  }
0x125: {  	v1 =	vld [tilespmem:s2+$0xFFFFFFD0];
	_ =	sdelay $0x1  }
0x126: {  	v2 =	vld [tilespmem:s2+$0xFFFFFFE0]  }
0x127: {  	v3 =	vld [tilespmem:s2+$0xFFFFFFF0]  }
0x128: {  	v4 =	vld [tilespmem:s2+$0x0]  }
0x129: {  	v5 =	vld [tilespmem:s2+$0x10]  }
0x12a: {  	v6 =	vld [tilespmem:s2+$0x20]  }
0x12b: {  	v0 =	vld.idx.msk [tilespmem:v0+s3+$0x0], $0xffff  }
0x12c: {  	v1 =	vld.idx.msk [tilespmem:v1+s3+$0x0], $0xffff  }
0x12d: {  	v7 =	vld [tilespmem:s2+$0xFFFFFFC0];
	s2 =	simm.s32 $0x187C0  }
0x12e: {  	v8 =	vld [tilespmem:s2+$0x30]  }
0x12f: {  	v10 =	vld [tilespmem:s2+$0xFFFFFFE0]  }
0x130: {  	v2 =	vld.idx.msk [tilespmem:v2+s3+$0x0], $0xffff;
	v0 =	vadd.f32 v0, v0  }
0x131: {  	v3 =	vld.idx.msk [tilespmem:v3+s3+$0x0], $0xffff;
	v1 =	vadd.f32 v1, v1  }
0x132: {  	v4 =	vld.idx.msk [tilespmem:v4+s3+$0x0], $0xffff;
	v0 =	vmul.f32 $1.442695020e+00, v0  }
0x133: {  	v5 =	vld.idx.msk [tilespmem:v5+s3+$0x0], $0xffff;
	v1 =	vmul.f32 $1.442695020e+00, v1  }
0x134: {  	v6 =	vld.idx.msk [tilespmem:v6+s3+$0x0], $0xffff;
	(erf) = vpow2.f32 v0  }
0x135: {  	v2 =	vadd.f32 v2, v2;
	v0 =	vld [tilespmem:s2+$0xFFFFFFF0];
	(erf) = vpow2.f32 v1  }
0x136: {  	v7 =	vld.idx.msk [tilespmem:v7+s3+$0x0], $0xffff  }
0x137: {  	v9 =	vld [tilespmem:s2+$0xFFFFFFD0];
	v3 =	vadd.f32 v3, v3;
	v2 =	vmul.f32 $1.442695020e+00, v2  }
0x138: {  	v11 =	vld [tilespmem:s2+$0x10];
	v4 =	vadd.f32 v4, v4  }
0x139: {  	v12 =	vld [tilespmem:s2+$0x20];
	v3 =	vmul.f32 $1.442695020e+00, v3;
	(erf) = vpow2.f32 v2;
	v2 =	vadd.f32 v5, v5  }
0x13a: {  	v6 =	vadd.f32 v6, v6;
	v4 =	vmul.f32 $1.442695020e+00, v4;
	v1 =	vld [tilespmem:s2+$0x0]  }
0x13b: {  	v7 =	vadd.f32 v7, v7;
	v5 =	vld.idx.msk [tilespmem:v10+s3+$0x0], $0xffff;
	(erf) = vpow2.f32 v3;
	v10 =	vmul.f32 $1.442695020e+00, v2  }
0x13c: {  	v6 =	vmul.f32 $1.442695020e+00, v6;
	(erf) = vpow2.f32 v4;
	v4 =	vld [tilespmem:s2+$0xFFFFFFC0]  }
0x13d: {  	s31 =	simm.s32 $0x1C740;
	v7 =	vmul.f32 $1.442695020e+00, v7;
	(erf) = vpow2.f32 v10;
	v3 =	vld.idx.msk [tilespmem:v0+s3+$0x0], $0xffff;
	v0 =	vpop (erf)  }
0x13e: {  	[tilespmem:s31+$0x30] =	vst v0;
	v0 =	vpop (erf);
	(erf) = vpow2.f32 v6  }
0x13f: {  	v8 =	vld.idx.msk [tilespmem:v8+s3+$0x0], $0xffff;
	(erf) = vpow2.f32 v7  }
0x140: {  	v9 =	vld.idx.msk [tilespmem:v9+s3+$0x0], $0xffff;
	_ =	sdelay $0x1  }
0x141: {  	v2 =	vld.idx.msk [tilespmem:v1+s3+$0x0], $0xffff  }
0x142: {  	v1 =	vld.idx.msk [tilespmem:v11+s3+$0x0], $0xffff;
	[tilespmem:s31+$0xFFFFFFD0] =	vst v0;
	v10 =	vpop (erf)  }
0x143: {  	v0 =	vld.idx.msk [tilespmem:v12+s3+$0x0], $0xffff;
	v7 =	vadd.f32 v8, v8;
	[tilespmem:s31+$0xFFFFFFE0] =	vst v10;
	v6 =	vpop (erf)  }
0x144: {  	s0 =	simm.s32 $0x80;
	s2 =	simm.s32 $0x18840;
	v8 =	vadd.f32 v9, v9;
	v4 =	vld.idx.msk [tilespmem:v4+s3+$0x0], $0xffff;
	[tilespmem:s31+$0xFFFFFFF0] =	vst v6;
	v6 =	vpop (erf)  }
.LBB2_14:
0x145: {  	v9 =	vld [tilespmem:s2+$0x30];
	s0 =	sadd.s32 $0x80, s0;
	v5 =	vadd.f32 v5, v5;
	v7 =	vmul.f32 $1.442695020e+00, v7;
	[tilespmem:s31+$0x0] =	vst v6;
	v6 =	vpop (erf)  }
0x146: {  	v3 =	vadd.f32 v3, v3;
	v10 =	vld [tilespmem:s2+$0xFFFFFFD0];
	p0 =	slt.u32 s0, $0x1780;
	v8 =	vmul.f32 $1.442695020e+00, v8;
	[tilespmem:s31+$0x10] =	vst v6;
	v6 =	vpop (erf)  }
0x147: {  	v2 =	vadd.f32 v2, v2;
	v11 =	vld [tilespmem:s2+$0xFFFFFFE0];
	v5 =	vmul.f32 $1.442695020e+00, v5;
	(erf) = vpow2.f32 v7;
	[tilespmem:s31+$0x20] =	vst v6;
	v6 =	vpop (erf)  }
0x148: {  	v3 =	vmul.f32 $1.442695020e+00, v3;
	v1 =	vadd.f32 v1, v1;
	v7 =	vld [tilespmem:s2+$0xFFFFFFF0];
	(erf) = vpow2.f32 v8;
	[tilespmem:s31+$0xFFFFFFC0] =	vst v6  }
0x149: {  	v2 =	vmul.f32 $1.442695020e+00, v2;
	v0 =	vadd.f32 v0, v0;
	v6 =	vld [tilespmem:s2+$0x0];
	(erf) = vpow2.f32 v5  }
0x14a: {  	v4 =	vadd.f32 v4, v4;
	v1 =	vmul.f32 $1.442695020e+00, v1;
	v8 =	vld [tilespmem:s2+$0x10];
	(erf) = vpow2.f32 v3  }
0x14b: {  	v0 =	vmul.f32 $1.442695020e+00, v0;
	v12 =	vld [tilespmem:s2+$0x20];
	(erf) = vpow2.f32 v2  }
0x14c: {  	v2 =	vmul.f32 $1.442695020e+00, v4;
	v13 =	vld [tilespmem:s2+$0xFFFFFFC0];
	(erf) = vpow2.f32 v1  }
0x14d: {  	v4 =	vld.idx.msk [tilespmem:v9+s3+$0x0], $0xffff;
	(erf) = vpow2.f32 v0  }
0x14e: {  	v9 =	vld.idx.msk [tilespmem:v10+s3+$0x0], $0xffff;
	(erf) = vpow2.f32 v2  }
0x14f: {  	v5 =	vld.idx.msk [tilespmem:v11+s3+$0x0], $0xffff  }
.Ltmp6:
0x150: {  	s31 =	sadd.s32 $0x80, s31;
	v3 =	vld.idx.msk [tilespmem:v7+s3+$0x0], $0xffff;
	v0 =	vpop (erf);
	(pc) =	sbr.rel @p0 .LBB2_14-.Ltmp6, $4  }
0x151: {  	v2 =	vld.idx.msk [tilespmem:v6+s3+$0x0], $0xffff;
	[tilespmem:s31+$0x30] =	vst v0;
	v0 =	vpop (erf)  }
0x152: {  	v1 =	vld.idx.msk [tilespmem:v8+s3+$0x0], $0xffff;
	[tilespmem:s31+$0xFFFFFFD0] =	vst v0;
	v6 =	vpop (erf)  }
0x153: {  	v7 =	vadd.f32 v4, v4;
	v0 =	vld.idx.msk [tilespmem:v12+s3+$0x0], $0xffff;
	[tilespmem:s31+$0xFFFFFFE0] =	vst v6;
	v6 =	vpop (erf)  }
0x154: {  	s2 =	sadd.s32 $0x80, s2;
	v8 =	vadd.f32 v9, v9;
	v4 =	vld.idx.msk [tilespmem:v13+s3+$0x0], $0xffff;
	[tilespmem:s31+$0xFFFFFFF0] =	vst v6;
	v6 =	vpop (erf)  }
0x155: {  	v5 =	vadd.f32 v5, v5  }
0x156: {  	v7 =	vmul.f32 $1.442695020e+00, v7;
	v3 =	vadd.f32 v3, v3  }
0x157: {  	v8 =	vmul.f32 $1.442695020e+00, v8;
	v2 =	vadd.f32 v2, v2;
	v5 =	vmul.f32 $1.442695020e+00, v5  }
0x158: {  	(erf) = vpow2.f32 v7;
	v3 =	vmul.f32 $1.442695020e+00, v3;
	v1 =	vadd.f32 v1, v1  }
0x159: {  	(erf) = vpow2.f32 v8;
	v2 =	vmul.f32 $1.442695020e+00, v2;
	v0 =	vadd.f32 v0, v0  }
0x15a: {  	(erf) = vpow2.f32 v5;
	v1 =	vmul.f32 $1.442695020e+00, v1  }
0x15b: {  	v4 =	vadd.f32 v4, v4;
	(erf) = vpow2.f32 v3;
	v0 =	vmul.f32 $1.442695020e+00, v0  }
0x15c: {  	(erf) = vpow2.f32 v2  }
0x15d: {  	v2 =	vmul.f32 $1.442695020e+00, v4;
	(erf) = vpow2.f32 v1  }
0x15e: {  	[tilespmem:s31+$0x0] =	vst v6;
	v1 =	vpop (erf);
	(erf) = vpow2.f32 v0  }
0x15f: {  	[tilespmem:s31+$0x10] =	vst v1;
	v0 =	vpop (erf);
	(erf) = vpow2.f32 v2  }
0x160: {  	v1 =	vpop (erf);
	[tilespmem:s31+$0x20] =	vst v0  }
0x161: {  	s0 =	sadd.s32 $0x80, s31;
	[tilespmem:s31+$0xFFFFFFC0] =	vst v1;
	v0 =	vpop (erf)  }
0x162: {  	[tilespmem:s0+$0x30] =	vst v0;
	v0 =	vpop (erf)  }
0x163: {  	[tilespmem:s0+$0xFFFFFFD0] =	vst v0;
	v0 =	vpop (erf)  }
0x164: {  	[tilespmem:s0+$0xFFFFFFE0] =	vst v0;
	v0 =	vpop (erf)  }
0x165: {  	[tilespmem:s0+$0xFFFFFFF0] =	vst v0;
	v0 =	vpop (erf)  }
0x166: {  	[tilespmem:s0+$0x0] =	vst v0;
	v0 =	vpop (erf)  }
0x167: {  	[tilespmem:s0+$0x10] =	vst v0;
	v0 =	vpop (erf)  }
0x168: {  	[tilespmem:s0+$0x20] =	vst v0;
	v0 =	vpop (erf)  }
0x169: {  	[tilespmem:s0+$0xFFFFFFC0] =	vst v0  }
0x16a: {  	[hbm4b:s13+s22] =	stream.strided.scatter [tilespmem:s26], [sflag:$0x2], $0x1800, s23, s22, $0x38;
	[tilespmem:$0x1F700] =	vst v63  }
0x16b: {  	_ =	swait.ge [sflag:s29], $0x1000  }
0x16c: {  	[sflag:s29] =	ssyncset.done $0x0  }
0x16d: {  	s2 =	simm.s32 $0x19F70;
	[sflag:s29] =	ssyncadd.s32 $0xFFFFF000  }
0x16e: {  	v0 =	vld [tilespmem:s2+$0x0]  }
0x16f: {  	v1 =	vld [tilespmem:s2+$0xFFFFFFA0];
	_ =	sdelay $0x2  }
0x170: {  	v2 =	vld [tilespmem:s2+$0xFFFFFFB0]  }
0x171: {  	v3 =	vld [tilespmem:s2+$0xFFFFFFC0]  }
0x172: {  	v4 =	vld [tilespmem:s2+$0xFFFFFFD0]  }
0x173: {  	v5 =	vld [tilespmem:s2+$0xFFFFFFE0]  }
0x174: {  	v0 =	vld.idx.msk [tilespmem:v0+s3+$0x0], $0xffff  }
0x175: {  	v1 =	vld.idx.msk [tilespmem:v1+s3+$0x0], $0xffff  }
0x176: {  	v6 =	vld [tilespmem:s2+$0xFFFFFFF0]  }
0x177: {  	v7 =	vld [tilespmem:s2+$0xFFFFFF90];
	s2 =	simm.s32 $0x19FF0  }
0x178: {  	v8 =	vld [tilespmem:s2+$0x0]  }
0x179: {  	v10 =	vld [tilespmem:s2+$0xFFFFFFB0];
	v0 =	vadd.f32 v0, v0  }
0x17a: {  	v2 =	vld.idx.msk [tilespmem:v2+s3+$0x0], $0xffff;
	v1 =	vadd.f32 v1, v1  }
0x17b: {  	v3 =	vld.idx.msk [tilespmem:v3+s3+$0x0], $0xffff;
	v0 =	vmul.f32 $1.442695020e+00, v0  }
0x17c: {  	v4 =	vld.idx.msk [tilespmem:v4+s3+$0x0], $0xffff;
	v1 =	vmul.f32 $1.442695020e+00, v1  }
0x17d: {  	v5 =	vld.idx.msk [tilespmem:v5+s3+$0x0], $0xffff;
	(erf) = vpow2.f32 v0  }
0x17e: {  	v0 =	vld [tilespmem:s2+$0xFFFFFFC0];
	(erf) = vpow2.f32 v1  }
0x17f: {  	v6 =	vld.idx.msk [tilespmem:v6+s3+$0x0], $0xffff;
	v2 =	vadd.f32 v2, v2  }
0x180: {  	v7 =	vld.idx.msk [tilespmem:v7+s3+$0x0], $0xffff  }
0x181: {  	v9 =	vld [tilespmem:s2+$0xFFFFFFA0];
	v3 =	vadd.f32 v3, v3;
	v2 =	vmul.f32 $1.442695020e+00, v2  }
0x182: {  	v11 =	vld [tilespmem:s2+$0xFFFFFFE0];
	v4 =	vadd.f32 v4, v4  }
0x183: {  	v12 =	vld [tilespmem:s2+$0xFFFFFFF0];
	v3 =	vmul.f32 $1.442695020e+00, v3;
	(erf) = vpow2.f32 v2;
	v2 =	vadd.f32 v5, v5  }
0x184: {  	v6 =	vadd.f32 v6, v6;
	v4 =	vmul.f32 $1.442695020e+00, v4;
	v1 =	vld [tilespmem:s2+$0xFFFFFFD0]  }
0x185: {  	v7 =	vadd.f32 v7, v7;
	v5 =	vld.idx.msk [tilespmem:v10+s3+$0x0], $0xffff;
	(erf) = vpow2.f32 v3;
	v10 =	vmul.f32 $1.442695020e+00, v2  }
0x186: {  	s31 =	simm.s32 $0x1DF70;
	v6 =	vmul.f32 $1.442695020e+00, v6;
	(erf) = vpow2.f32 v4;
	v3 =	vld.idx.msk [tilespmem:v0+s3+$0x0], $0xffff;
	v0 =	vpop (erf)  }
0x187: {  	v7 =	vmul.f32 $1.442695020e+00, v7;
	v4 =	vld [tilespmem:s2+$0xFFFFFF90];
	[tilespmem:s31+$0x0] =	vst v0;
	v0 =	vpop (erf);
	(erf) = vpow2.f32 v10  }
0x188: {  	(erf) = vpow2.f32 v6  }
0x189: {  	v8 =	vld.idx.msk [tilespmem:v8+s3+$0x0], $0xffff;
	(erf) = vpow2.f32 v7  }
0x18a: {  	v9 =	vld.idx.msk [tilespmem:v9+s3+$0x0], $0xffff;
	_ =	sdelay $0x1  }
0x18b: {  	v2 =	vld.idx.msk [tilespmem:v1+s3+$0x0], $0xffff  }
0x18c: {  	v1 =	vld.idx.msk [tilespmem:v11+s3+$0x0], $0xffff;
	[tilespmem:s31+$0xFFFFFFA0] =	vst v0;
	v10 =	vpop (erf)  }
0x18d: {  	v0 =	vld.idx.msk [tilespmem:v12+s3+$0x0], $0xffff;
	[tilespmem:s31+$0xFFFFFFB0] =	vst v10;
	v6 =	vpop (erf);
	v7 =	vadd.f32 v8, v8  }
0x18e: {  	s0 =	simm.s32 $0x80;
	s2 =	simm.s32 $0x1A070;
	v4 =	vld.idx.msk [tilespmem:v4+s3+$0x0], $0xffff;
	v8 =	vadd.f32 v9, v9;
	[tilespmem:s31+$0xFFFFFFC0] =	vst v6;
	v6 =	vpop (erf)  }
.LBB2_16:
0x18f: {  	v9 =	vld [tilespmem:s2+$0x0];
	s0 =	sadd.s32 $0x80, s0;
	v5 =	vadd.f32 v5, v5;
	v7 =	vmul.f32 $1.442695020e+00, v7;
	[tilespmem:s31+$0xFFFFFFD0] =	vst v6;
	v6 =	vpop (erf)  }
0x190: {  	v3 =	vadd.f32 v3, v3;
	v10 =	vld [tilespmem:s2+$0xFFFFFFA0];
	p0 =	slt.u32 s0, $0x1780;
	v8 =	vmul.f32 $1.442695020e+00, v8;
	[tilespmem:s31+$0xFFFFFFE0] =	vst v6;
	v6 =	vpop (erf)  }
0x191: {  	v2 =	vadd.f32 v2, v2;
	v11 =	vld [tilespmem:s2+$0xFFFFFFB0];
	v5 =	vmul.f32 $1.442695020e+00, v5;
	(erf) = vpow2.f32 v7;
	[tilespmem:s31+$0xFFFFFFF0] =	vst v6;
	v6 =	vpop (erf)  }
0x192: {  	v3 =	vmul.f32 $1.442695020e+00, v3;
	v1 =	vadd.f32 v1, v1;
	v7 =	vld [tilespmem:s2+$0xFFFFFFC0];
	(erf) = vpow2.f32 v8;
	[tilespmem:s31+$0xFFFFFF90] =	vst v6  }
0x193: {  	v2 =	vmul.f32 $1.442695020e+00, v2;
	v0 =	vadd.f32 v0, v0;
	v6 =	vld [tilespmem:s2+$0xFFFFFFD0];
	(erf) = vpow2.f32 v5  }
0x194: {  	v4 =	vadd.f32 v4, v4;
	v1 =	vmul.f32 $1.442695020e+00, v1;
	v8 =	vld [tilespmem:s2+$0xFFFFFFE0];
	(erf) = vpow2.f32 v3  }
0x195: {  	v0 =	vmul.f32 $1.442695020e+00, v0;
	v12 =	vld [tilespmem:s2+$0xFFFFFFF0];
	(erf) = vpow2.f32 v2  }
0x196: {  	v2 =	vmul.f32 $1.442695020e+00, v4;
	v13 =	vld [tilespmem:s2+$0xFFFFFF90];
	(erf) = vpow2.f32 v1  }
0x197: {  	v4 =	vld.idx.msk [tilespmem:v9+s3+$0x0], $0xffff;
	(erf) = vpow2.f32 v0  }
0x198: {  	v9 =	vld.idx.msk [tilespmem:v10+s3+$0x0], $0xffff;
	(erf) = vpow2.f32 v2  }
0x199: {  	v5 =	vld.idx.msk [tilespmem:v11+s3+$0x0], $0xffff  }
.Ltmp7:
0x19a: {  	s31 =	sadd.s32 $0x80, s31;
	v3 =	vld.idx.msk [tilespmem:v7+s3+$0x0], $0xffff;
	v0 =	vpop (erf);
	(pc) =	sbr.rel @p0 .LBB2_16-.Ltmp7, $4  }
0x19b: {  	v2 =	vld.idx.msk [tilespmem:v6+s3+$0x0], $0xffff;
	[tilespmem:s31+$0x0] =	vst v0;
	v0 =	vpop (erf)  }
0x19c: {  	v1 =	vld.idx.msk [tilespmem:v8+s3+$0x0], $0xffff;
	[tilespmem:s31+$0xFFFFFFA0] =	vst v0;
	v6 =	vpop (erf)  }
0x19d: {  	v7 =	vadd.f32 v4, v4;
	v0 =	vld.idx.msk [tilespmem:v12+s3+$0x0], $0xffff;
	[tilespmem:s31+$0xFFFFFFB0] =	vst v6;
	v6 =	vpop (erf)  }
0x19e: {  	s2 =	sadd.s32 $0x80, s2;
	v8 =	vadd.f32 v9, v9;
	v4 =	vld.idx.msk [tilespmem:v13+s3+$0x0], $0xffff;
	[tilespmem:s31+$0xFFFFFFC0] =	vst v6;
	v6 =	vpop (erf)  }
0x19f: {  	v5 =	vadd.f32 v5, v5  }
0x1a0: {  	v7 =	vmul.f32 $1.442695020e+00, v7;
	v3 =	vadd.f32 v3, v3  }
0x1a1: {  	v8 =	vmul.f32 $1.442695020e+00, v8;
	v2 =	vadd.f32 v2, v2;
	v5 =	vmul.f32 $1.442695020e+00, v5  }
0x1a2: {  	(erf) = vpow2.f32 v7;
	v3 =	vmul.f32 $1.442695020e+00, v3;
	v1 =	vadd.f32 v1, v1  }
0x1a3: {  	(erf) = vpow2.f32 v8;
	v2 =	vmul.f32 $1.442695020e+00, v2;
	v0 =	vadd.f32 v0, v0  }
0x1a4: {  	(erf) = vpow2.f32 v5;
	v1 =	vmul.f32 $1.442695020e+00, v1  }
0x1a5: {  	v4 =	vadd.f32 v4, v4;
	(erf) = vpow2.f32 v3;
	v0 =	vmul.f32 $1.442695020e+00, v0  }
0x1a6: {  	(erf) = vpow2.f32 v2  }
0x1a7: {  	v2 =	vmul.f32 $1.442695020e+00, v4;
	(erf) = vpow2.f32 v1  }
0x1a8: {  	[tilespmem:s31+$0xFFFFFFD0] =	vst v6;
	v1 =	vpop (erf);
	(erf) = vpow2.f32 v0  }
0x1a9: {  	[tilespmem:s31+$0xFFFFFFE0] =	vst v1;
	v0 =	vpop (erf);
	(erf) = vpow2.f32 v2  }
0x1aa: {  	v1 =	vpop (erf);
	[tilespmem:s31+$0xFFFFFFF0] =	vst v0  }
0x1ab: {  	s0 =	sadd.s32 $0x80, s31;
	[tilespmem:s31+$0xFFFFFF90] =	vst v1;
	v0 =	vpop (erf)  }
0x1ac: {  	[tilespmem:s0+$0x0] =	vst v0;
	v0 =	vpop (erf)  }
0x1ad: {  	[tilespmem:s0+$0xFFFFFFA0] =	vst v0;
	v0 =	vpop (erf)  }
0x1ae: {  	[tilespmem:s0+$0xFFFFFFB0] =	vst v0;
	v0 =	vpop (erf)  }
0x1af: {  	[tilespmem:s0+$0xFFFFFFC0] =	vst v0;
	v0 =	vpop (erf)  }
0x1b0: {  	[tilespmem:s0+$0xFFFFFFD0] =	vst v0;
	v0 =	vpop (erf)  }
0x1b1: {  	[tilespmem:s0+$0xFFFFFFE0] =	vst v0;
	v0 =	vpop (erf)  }
0x1b2: {  	[tilespmem:s0+$0xFFFFFFF0] =	vst v0;
	v0 =	vpop (erf)  }
0x1b3: {  	[tilespmem:s0+$0xFFFFFF90] =	vst v0  }
0x1b4: {  	[hbm4b:s14+s22] =	stream.strided.scatter [tilespmem:s28], [sflag:$0x2], $0x1800, s23, s22, $0x38;
	[tilespmem:$0x1F700] =	vst v63  }
0x1b5: {  	_ =	swait.ge [sflag:s29], $0x1800  }
0x1b6: {  	[sflag:s29] =	ssyncset.done $0x0  }
0x1b7: {  	s2 =	simm.s32 $0x1B770;
	[sflag:s29] =	ssyncadd.s32 $0xFFFFE800  }
0x1b8: {  	v0 =	vld [tilespmem:s2+$0x0]  }
0x1b9: {  	v1 =	vld [tilespmem:s2+$0xFFFFFFA0];
	_ =	sdelay $0x2  }
0x1ba: {  	v2 =	vld [tilespmem:s2+$0xFFFFFFB0]  }
0x1bb: {  	v3 =	vld [tilespmem:s2+$0xFFFFFFC0]  }
0x1bc: {  	v4 =	vld [tilespmem:s2+$0xFFFFFFD0]  }
0x1bd: {  	v5 =	vld [tilespmem:s2+$0xFFFFFFE0]  }
0x1be: {  	v0 =	vld.idx.msk [tilespmem:v0+s3+$0x0], $0xffff  }
0x1bf: {  	v1 =	vld.idx.msk [tilespmem:v1+s3+$0x0], $0xffff  }
0x1c0: {  	v6 =	vld [tilespmem:s2+$0xFFFFFFF0]  }
0x1c1: {  	v7 =	vld [tilespmem:s2+$0xFFFFFF90];
	s2 =	simm.s32 $0x1B7F0  }
0x1c2: {  	v8 =	vld [tilespmem:s2+$0x0]  }
0x1c3: {  	v10 =	vld [tilespmem:s2+$0xFFFFFFB0];
	v0 =	vadd.f32 v0, v0  }
0x1c4: {  	v2 =	vld.idx.msk [tilespmem:v2+s3+$0x0], $0xffff;
	v1 =	vadd.f32 v1, v1  }
0x1c5: {  	v3 =	vld.idx.msk [tilespmem:v3+s3+$0x0], $0xffff;
	v0 =	vmul.f32 $1.442695020e+00, v0  }
0x1c6: {  	v4 =	vld.idx.msk [tilespmem:v4+s3+$0x0], $0xffff;
	v1 =	vmul.f32 $1.442695020e+00, v1  }
0x1c7: {  	v5 =	vld.idx.msk [tilespmem:v5+s3+$0x0], $0xffff;
	(erf) = vpow2.f32 v0  }
0x1c8: {  	v0 =	vld [tilespmem:s2+$0xFFFFFFC0];
	(erf) = vpow2.f32 v1  }
0x1c9: {  	v6 =	vld.idx.msk [tilespmem:v6+s3+$0x0], $0xffff;
	v2 =	vadd.f32 v2, v2  }
0x1ca: {  	v7 =	vld.idx.msk [tilespmem:v7+s3+$0x0], $0xffff  }
0x1cb: {  	v9 =	vld [tilespmem:s2+$0xFFFFFFA0];
	v3 =	vadd.f32 v3, v3;
	v2 =	vmul.f32 $1.442695020e+00, v2  }
0x1cc: {  	v11 =	vld [tilespmem:s2+$0xFFFFFFE0];
	v4 =	vadd.f32 v4, v4  }
0x1cd: {  	v12 =	vld [tilespmem:s2+$0xFFFFFFF0];
	v3 =	vmul.f32 $1.442695020e+00, v3;
	(erf) = vpow2.f32 v2;
	v2 =	vadd.f32 v5, v5  }
0x1ce: {  	v6 =	vadd.f32 v6, v6;
	v4 =	vmul.f32 $1.442695020e+00, v4;
	v1 =	vld [tilespmem:s2+$0xFFFFFFD0]  }
0x1cf: {  	v7 =	vadd.f32 v7, v7;
	v5 =	vld.idx.msk [tilespmem:v10+s3+$0x0], $0xffff;
	(erf) = vpow2.f32 v3;
	v10 =	vmul.f32 $1.442695020e+00, v2  }
0x1d0: {  	s31 =	simm.s32 $0x1C740;
	v6 =	vmul.f32 $1.442695020e+00, v6;
	(erf) = vpow2.f32 v4;
	v3 =	vld.idx.msk [tilespmem:v0+s3+$0x0], $0xffff;
	v0 =	vpop (erf)  }
0x1d1: {  	v7 =	vmul.f32 $1.442695020e+00, v7;
	v4 =	vld [tilespmem:s2+$0xFFFFFF90];
	[tilespmem:s31+$0x30] =	vst v0;
	v0 =	vpop (erf);
	(erf) = vpow2.f32 v10  }
0x1d2: {  	(erf) = vpow2.f32 v6  }
0x1d3: {  	v8 =	vld.idx.msk [tilespmem:v8+s3+$0x0], $0xffff;
	(erf) = vpow2.f32 v7  }
0x1d4: {  	v9 =	vld.idx.msk [tilespmem:v9+s3+$0x0], $0xffff;
	_ =	sdelay $0x1  }
0x1d5: {  	v2 =	vld.idx.msk [tilespmem:v1+s3+$0x0], $0xffff  }
0x1d6: {  	v1 =	vld.idx.msk [tilespmem:v11+s3+$0x0], $0xffff;
	[tilespmem:s31+$0xFFFFFFD0] =	vst v0;
	v10 =	vpop (erf)  }
0x1d7: {  	v0 =	vld.idx.msk [tilespmem:v12+s3+$0x0], $0xffff;
	[tilespmem:s31+$0xFFFFFFE0] =	vst v10;
	v6 =	vpop (erf);
	v7 =	vadd.f32 v8, v8  }
0x1d8: {  	s0 =	simm.s32 $0x80;
	s2 =	simm.s32 $0x1B870;
	v4 =	vld.idx.msk [tilespmem:v4+s3+$0x0], $0xffff;
	v8 =	vadd.f32 v9, v9;
	[tilespmem:s31+$0xFFFFFFF0] =	vst v6;
	v6 =	vpop (erf)  }
.LBB2_18:
0x1d9: {  	v9 =	vld [tilespmem:s2+$0x0];
	s0 =	sadd.s32 $0x80, s0;
	v5 =	vadd.f32 v5, v5;
	v7 =	vmul.f32 $1.442695020e+00, v7;
	[tilespmem:s31+$0x0] =	vst v6;
	v6 =	vpop (erf)  }
0x1da: {  	v3 =	vadd.f32 v3, v3;
	v10 =	vld [tilespmem:s2+$0xFFFFFFA0];
	p0 =	slt.u32 s0, $0xF80;
	v8 =	vmul.f32 $1.442695020e+00, v8;
	[tilespmem:s31+$0x10] =	vst v6;
	v6 =	vpop (erf)  }
0x1db: {  	v2 =	vadd.f32 v2, v2;
	v11 =	vld [tilespmem:s2+$0xFFFFFFB0];
	v5 =	vmul.f32 $1.442695020e+00, v5;
	(erf) = vpow2.f32 v7;
	[tilespmem:s31+$0x20] =	vst v6;
	v6 =	vpop (erf)  }
0x1dc: {  	v3 =	vmul.f32 $1.442695020e+00, v3;
	v1 =	vadd.f32 v1, v1;
	v7 =	vld [tilespmem:s2+$0xFFFFFFC0];
	(erf) = vpow2.f32 v8;
	[tilespmem:s31+$0xFFFFFFC0] =	vst v6  }
0x1dd: {  	v2 =	vmul.f32 $1.442695020e+00, v2;
	v0 =	vadd.f32 v0, v0;
	v6 =	vld [tilespmem:s2+$0xFFFFFFD0];
	(erf) = vpow2.f32 v5  }
0x1de: {  	v4 =	vadd.f32 v4, v4;
	v1 =	vmul.f32 $1.442695020e+00, v1;
	v8 =	vld [tilespmem:s2+$0xFFFFFFE0];
	(erf) = vpow2.f32 v3  }
0x1df: {  	v0 =	vmul.f32 $1.442695020e+00, v0;
	v12 =	vld [tilespmem:s2+$0xFFFFFFF0];
	(erf) = vpow2.f32 v2  }
0x1e0: {  	v2 =	vmul.f32 $1.442695020e+00, v4;
	v13 =	vld [tilespmem:s2+$0xFFFFFF90];
	(erf) = vpow2.f32 v1  }
0x1e1: {  	v4 =	vld.idx.msk [tilespmem:v9+s3+$0x0], $0xffff;
	(erf) = vpow2.f32 v0  }
0x1e2: {  	v9 =	vld.idx.msk [tilespmem:v10+s3+$0x0], $0xffff;
	(erf) = vpow2.f32 v2  }
0x1e3: {  	v5 =	vld.idx.msk [tilespmem:v11+s3+$0x0], $0xffff  }
.Ltmp8:
0x1e4: {  	s31 =	sadd.s32 $0x80, s31;
	v3 =	vld.idx.msk [tilespmem:v7+s3+$0x0], $0xffff;
	v0 =	vpop (erf);
	(pc) =	sbr.rel @p0 .LBB2_18-.Ltmp8, $4  }
0x1e5: {  	v2 =	vld.idx.msk [tilespmem:v6+s3+$0x0], $0xffff;
	[tilespmem:s31+$0x30] =	vst v0;
	v0 =	vpop (erf)  }
0x1e6: {  	v1 =	vld.idx.msk [tilespmem:v8+s3+$0x0], $0xffff;
	[tilespmem:s31+$0xFFFFFFD0] =	vst v0;
	v6 =	vpop (erf)  }
0x1e7: {  	v7 =	vadd.f32 v4, v4;
	v0 =	vld.idx.msk [tilespmem:v12+s3+$0x0], $0xffff;
	[tilespmem:s31+$0xFFFFFFE0] =	vst v6;
	v6 =	vpop (erf)  }
0x1e8: {  	s2 =	sadd.s32 $0x80, s2;
	v8 =	vadd.f32 v9, v9;
	v4 =	vld.idx.msk [tilespmem:v13+s3+$0x0], $0xffff;
	[tilespmem:s31+$0xFFFFFFF0] =	vst v6;
	v6 =	vpop (erf)  }
0x1e9: {  	v5 =	vadd.f32 v5, v5  }
0x1ea: {  	v7 =	vmul.f32 $1.442695020e+00, v7;
	v3 =	vadd.f32 v3, v3  }
0x1eb: {  	v8 =	vmul.f32 $1.442695020e+00, v8;
	v2 =	vadd.f32 v2, v2;
	v5 =	vmul.f32 $1.442695020e+00, v5  }
0x1ec: {  	(erf) = vpow2.f32 v7;
	v3 =	vmul.f32 $1.442695020e+00, v3;
	v1 =	vadd.f32 v1, v1  }
0x1ed: {  	(erf) = vpow2.f32 v8;
	v2 =	vmul.f32 $1.442695020e+00, v2;
	v0 =	vadd.f32 v0, v0  }
0x1ee: {  	(erf) = vpow2.f32 v5;
	v1 =	vmul.f32 $1.442695020e+00, v1  }
0x1ef: {  	v4 =	vadd.f32 v4, v4;
	(erf) = vpow2.f32 v3;
	v0 =	vmul.f32 $1.442695020e+00, v0  }
0x1f0: {  	(erf) = vpow2.f32 v2  }
0x1f1: {  	v2 =	vmul.f32 $1.442695020e+00, v4;
	(erf) = vpow2.f32 v1  }
0x1f2: {  	[tilespmem:s31+$0x0] =	vst v6;
	v1 =	vpop (erf);
	(erf) = vpow2.f32 v0  }
0x1f3: {  	[tilespmem:s31+$0x10] =	vst v1;
	v0 =	vpop (erf);
	(erf) = vpow2.f32 v2  }
0x1f4: {  	v1 =	vpop (erf);
	[tilespmem:s31+$0x20] =	vst v0  }
0x1f5: {  	s0 =	sadd.s32 $0x80, s31;
	[tilespmem:s31+$0xFFFFFFC0] =	vst v1;
	v0 =	vpop (erf)  }
0x1f6: {  	[tilespmem:s0+$0x30] =	vst v0;
	v0 =	vpop (erf)  }
0x1f7: {  	[tilespmem:s0+$0xFFFFFFD0] =	vst v0;
	v0 =	vpop (erf)  }
0x1f8: {  	[tilespmem:s0+$0xFFFFFFE0] =	vst v0;
	v0 =	vpop (erf)  }
0x1f9: {  	[tilespmem:s0+$0xFFFFFFF0] =	vst v0;
	v0 =	vpop (erf)  }
0x1fa: {  	[tilespmem:s0+$0x0] =	vst v0;
	v0 =	vpop (erf)  }
0x1fb: {  	[tilespmem:s0+$0x10] =	vst v0;
	v0 =	vpop (erf)  }
0x1fc: {  	[tilespmem:s0+$0x20] =	vst v0;
	v0 =	vpop (erf)  }
0x1fd: {  	[tilespmem:s0+$0xFFFFFFC0] =	vst v0  }
0x1fe: {  	[hbm4b:s15+s22] =	stream.strided.scatter [tilespmem:s26], [sflag:$0x2], $0x1000, s23, s22, $0x38;
	[tilespmem:$0x1F700] =	vst v63  }
0x1ff: {  	_ = 	snop  }
0x200: {  	[tilespmem:s3], [sflag:$0x3] =	stream.strided.gather [hbm4b:s16+s22], $0x18700, s23, s22, $0x38;
	[tilespmem:$0x1F700] =	vst v63  }
0x201: {  	_ =	swait.ge [sflag:s24], $0x18700  }
0x202: {  	[sflag:s24] =	ssyncset.done $0x0  }
0x203: {  	[sflag:s24] =	ssyncadd.s32 $0xFFFE7900  }
0x204: {  	_ =	swait.ge [sflag:s29], $0x1800  }
0x205: {  	[sflag:s29] =	ssyncset.done $0x0  }
0x206: {  	s2 =	simm.s32 $0x18740;
	[sflag:s29] =	ssyncadd.s32 $0xFFFFE800  }
0x207: {  	v0 =	vld [tilespmem:s2+$0x30]  }
0x208: {  	v1 =	vld [tilespmem:s2+$0xFFFFFFD0];
	_ =	sdelay $0x2  }
0x209: {  	v2 =	vld [tilespmem:s2+$0xFFFFFFE0]  }
0x20a: {  	v3 =	vld [tilespmem:s2+$0xFFFFFFF0]  }
0x20b: {  	v4 =	vld [tilespmem:s2+$0x0]  }
0x20c: {  	v5 =	vld [tilespmem:s2+$0x10]  }
0x20d: {  	v0 =	vld.idx.msk [tilespmem:v0+s3+$0x0], $0xffff  }
0x20e: {  	v1 =	vld.idx.msk [tilespmem:v1+s3+$0x0], $0xffff  }
0x20f: {  	v6 =	vld [tilespmem:s2+$0x20]  }
0x210: {  	v7 =	vld [tilespmem:s2+$0xFFFFFFC0];
	s2 =	simm.s32 $0x187C0  }
0x211: {  	v8 =	vld [tilespmem:s2+$0x30]  }
0x212: {  	v10 =	vld [tilespmem:s2+$0xFFFFFFE0];
	v0 =	vadd.f32 v0, v0  }
0x213: {  	v2 =	vld.idx.msk [tilespmem:v2+s3+$0x0], $0xffff;
	v1 =	vadd.f32 v1, v1  }
0x214: {  	v3 =	vld.idx.msk [tilespmem:v3+s3+$0x0], $0xffff;
	v0 =	vmul.f32 $1.442695020e+00, v0  }
0x215: {  	v4 =	vld.idx.msk [tilespmem:v4+s3+$0x0], $0xffff;
	v1 =	vmul.f32 $1.442695020e+00, v1  }
0x216: {  	v5 =	vld.idx.msk [tilespmem:v5+s3+$0x0], $0xffff;
	(erf) = vpow2.f32 v0  }
0x217: {  	v0 =	vld [tilespmem:s2+$0xFFFFFFF0];
	(erf) = vpow2.f32 v1  }
0x218: {  	v6 =	vld.idx.msk [tilespmem:v6+s3+$0x0], $0xffff;
	v2 =	vadd.f32 v2, v2  }
0x219: {  	v7 =	vld.idx.msk [tilespmem:v7+s3+$0x0], $0xffff  }
0x21a: {  	v9 =	vld [tilespmem:s2+$0xFFFFFFD0];
	v3 =	vadd.f32 v3, v3;
	v2 =	vmul.f32 $1.442695020e+00, v2  }
0x21b: {  	v11 =	vld [tilespmem:s2+$0x10];
	v4 =	vadd.f32 v4, v4  }
0x21c: {  	v12 =	vld [tilespmem:s2+$0x20];
	v3 =	vmul.f32 $1.442695020e+00, v3;
	(erf) = vpow2.f32 v2;
	v2 =	vadd.f32 v5, v5  }
0x21d: {  	v6 =	vadd.f32 v6, v6;
	v4 =	vmul.f32 $1.442695020e+00, v4;
	v1 =	vld [tilespmem:s2+$0x0]  }
0x21e: {  	v7 =	vadd.f32 v7, v7;
	v5 =	vld.idx.msk [tilespmem:v10+s3+$0x0], $0xffff;
	(erf) = vpow2.f32 v3;
	v10 =	vmul.f32 $1.442695020e+00, v2  }
0x21f: {  	s31 =	simm.s32 $0x1DF70;
	v6 =	vmul.f32 $1.442695020e+00, v6;
	(erf) = vpow2.f32 v4;
	v3 =	vld.idx.msk [tilespmem:v0+s3+$0x0], $0xffff;
	v0 =	vpop (erf)  }
0x220: {  	v7 =	vmul.f32 $1.442695020e+00, v7;
	v4 =	vld [tilespmem:s2+$0xFFFFFFC0];
	[tilespmem:s31+$0x0] =	vst v0;
	v0 =	vpop (erf);
	(erf) = vpow2.f32 v10  }
0x221: {  	(erf) = vpow2.f32 v6  }
0x222: {  	v8 =	vld.idx.msk [tilespmem:v8+s3+$0x0], $0xffff;
	(erf) = vpow2.f32 v7  }
0x223: {  	v9 =	vld.idx.msk [tilespmem:v9+s3+$0x0], $0xffff;
	_ =	sdelay $0x1  }
0x224: {  	v2 =	vld.idx.msk [tilespmem:v1+s3+$0x0], $0xffff  }
0x225: {  	v1 =	vld.idx.msk [tilespmem:v11+s3+$0x0], $0xffff;
	[tilespmem:s31+$0xFFFFFFA0] =	vst v0;
	v10 =	vpop (erf)  }
0x226: {  	v0 =	vld.idx.msk [tilespmem:v12+s3+$0x0], $0xffff;
	[tilespmem:s31+$0xFFFFFFB0] =	vst v10;
	v6 =	vpop (erf);
	v7 =	vadd.f32 v8, v8  }
0x227: {  	s0 =	simm.s32 $0x80;
	s2 =	simm.s32 $0x18840;
	v4 =	vld.idx.msk [tilespmem:v4+s3+$0x0], $0xffff;
	v8 =	vadd.f32 v9, v9;
	[tilespmem:s31+$0xFFFFFFC0] =	vst v6;
	v6 =	vpop (erf)  }
.LBB2_20:
0x228: {  	v9 =	vld [tilespmem:s2+$0x30];
	s0 =	sadd.s32 $0x80, s0;
	v5 =	vadd.f32 v5, v5;
	v7 =	vmul.f32 $1.442695020e+00, v7;
	[tilespmem:s31+$0xFFFFFFD0] =	vst v6;
	v6 =	vpop (erf)  }
0x229: {  	v3 =	vadd.f32 v3, v3;
	v10 =	vld [tilespmem:s2+$0xFFFFFFD0];
	p0 =	slt.u32 s0, $0x1780;
	v8 =	vmul.f32 $1.442695020e+00, v8;
	[tilespmem:s31+$0xFFFFFFE0] =	vst v6;
	v6 =	vpop (erf)  }
0x22a: {  	v2 =	vadd.f32 v2, v2;
	v11 =	vld [tilespmem:s2+$0xFFFFFFE0];
	v5 =	vmul.f32 $1.442695020e+00, v5;
	(erf) = vpow2.f32 v7;
	[tilespmem:s31+$0xFFFFFFF0] =	vst v6;
	v6 =	vpop (erf)  }
0x22b: {  	v3 =	vmul.f32 $1.442695020e+00, v3;
	v1 =	vadd.f32 v1, v1;
	v7 =	vld [tilespmem:s2+$0xFFFFFFF0];
	(erf) = vpow2.f32 v8;
	[tilespmem:s31+$0xFFFFFF90] =	vst v6  }
0x22c: {  	v2 =	vmul.f32 $1.442695020e+00, v2;
	v0 =	vadd.f32 v0, v0;
	v6 =	vld [tilespmem:s2+$0x0];
	(erf) = vpow2.f32 v5  }
0x22d: {  	v4 =	vadd.f32 v4, v4;
	v1 =	vmul.f32 $1.442695020e+00, v1;
	v8 =	vld [tilespmem:s2+$0x10];
	(erf) = vpow2.f32 v3  }
0x22e: {  	v0 =	vmul.f32 $1.442695020e+00, v0;
	v12 =	vld [tilespmem:s2+$0x20];
	(erf) = vpow2.f32 v2  }
0x22f: {  	v2 =	vmul.f32 $1.442695020e+00, v4;
	v13 =	vld [tilespmem:s2+$0xFFFFFFC0];
	(erf) = vpow2.f32 v1  }
0x230: {  	v4 =	vld.idx.msk [tilespmem:v9+s3+$0x0], $0xffff;
	(erf) = vpow2.f32 v0  }
0x231: {  	v9 =	vld.idx.msk [tilespmem:v10+s3+$0x0], $0xffff;
	(erf) = vpow2.f32 v2  }
0x232: {  	v5 =	vld.idx.msk [tilespmem:v11+s3+$0x0], $0xffff  }
.Ltmp9:
0x233: {  	s31 =	sadd.s32 $0x80, s31;
	v3 =	vld.idx.msk [tilespmem:v7+s3+$0x0], $0xffff;
	v0 =	vpop (erf);
	(pc) =	sbr.rel @p0 .LBB2_20-.Ltmp9, $4  }
0x234: {  	v2 =	vld.idx.msk [tilespmem:v6+s3+$0x0], $0xffff;
	[tilespmem:s31+$0x0] =	vst v0;
	v0 =	vpop (erf)  }
0x235: {  	v1 =	vld.idx.msk [tilespmem:v8+s3+$0x0], $0xffff;
	[tilespmem:s31+$0xFFFFFFA0] =	vst v0;
	v6 =	vpop (erf)  }
0x236: {  	v7 =	vadd.f32 v4, v4;
	v0 =	vld.idx.msk [tilespmem:v12+s3+$0x0], $0xffff;
	[tilespmem:s31+$0xFFFFFFB0] =	vst v6;
	v6 =	vpop (erf)  }
0x237: {  	s2 =	sadd.s32 $0x80, s2;
	v8 =	vadd.f32 v9, v9;
	v4 =	vld.idx.msk [tilespmem:v13+s3+$0x0], $0xffff;
	[tilespmem:s31+$0xFFFFFFC0] =	vst v6;
	v6 =	vpop (erf)  }
0x238: {  	v5 =	vadd.f32 v5, v5  }
0x239: {  	v7 =	vmul.f32 $1.442695020e+00, v7;
	v3 =	vadd.f32 v3, v3  }
0x23a: {  	v8 =	vmul.f32 $1.442695020e+00, v8;
	v2 =	vadd.f32 v2, v2;
	v5 =	vmul.f32 $1.442695020e+00, v5  }
0x23b: {  	(erf) = vpow2.f32 v7;
	v3 =	vmul.f32 $1.442695020e+00, v3;
	v1 =	vadd.f32 v1, v1  }
0x23c: {  	(erf) = vpow2.f32 v8;
	v2 =	vmul.f32 $1.442695020e+00, v2;
	v0 =	vadd.f32 v0, v0  }
0x23d: {  	(erf) = vpow2.f32 v5;
	v1 =	vmul.f32 $1.442695020e+00, v1  }
0x23e: {  	v4 =	vadd.f32 v4, v4;
	(erf) = vpow2.f32 v3;
	v0 =	vmul.f32 $1.442695020e+00, v0  }
0x23f: {  	(erf) = vpow2.f32 v2  }
0x240: {  	v2 =	vmul.f32 $1.442695020e+00, v4;
	(erf) = vpow2.f32 v1  }
0x241: {  	[tilespmem:s31+$0xFFFFFFD0] =	vst v6;
	v1 =	vpop (erf);
	(erf) = vpow2.f32 v0  }
0x242: {  	[tilespmem:s31+$0xFFFFFFE0] =	vst v1;
	v0 =	vpop (erf);
	(erf) = vpow2.f32 v2  }
0x243: {  	v1 =	vpop (erf);
	[tilespmem:s31+$0xFFFFFFF0] =	vst v0  }
0x244: {  	s0 =	sadd.s32 $0x80, s31;
	[tilespmem:s31+$0xFFFFFF90] =	vst v1;
	v0 =	vpop (erf)  }
0x245: {  	[tilespmem:s0+$0x0] =	vst v0;
	v0 =	vpop (erf)  }
0x246: {  	[tilespmem:s0+$0xFFFFFFA0] =	vst v0;
	v0 =	vpop (erf)  }
0x247: {  	[tilespmem:s0+$0xFFFFFFB0] =	vst v0;
	v0 =	vpop (erf)  }
0x248: {  	[tilespmem:s0+$0xFFFFFFC0] =	vst v0;
	v0 =	vpop (erf)  }
0x249: {  	[tilespmem:s0+$0xFFFFFFD0] =	vst v0;
	v0 =	vpop (erf)  }
0x24a: {  	[tilespmem:s0+$0xFFFFFFE0] =	vst v0;
	v0 =	vpop (erf)  }
0x24b: {  	[tilespmem:s0+$0xFFFFFFF0] =	vst v0;
	v0 =	vpop (erf)  }
0x24c: {  	[tilespmem:s0+$0xFFFFFF90] =	vst v0  }
0x24d: {  	[hbm4b:s17+s22] =	stream.strided.scatter [tilespmem:s28], [sflag:$0x2], $0x1800, s23, s22, $0x38;
	[tilespmem:$0x1F700] =	vst v63  }
0x24e: {  	_ =	swait.ge [sflag:s29], $0x1000  }
0x24f: {  	[sflag:s29] =	ssyncset.done $0x0  }
0x250: {  	s2 =	simm.s32 $0x19F70;
	[sflag:s29] =	ssyncadd.s32 $0xFFFFF000  }
0x251: {  	v0 =	vld [tilespmem:s2+$0x0]  }
0x252: {  	v1 =	vld [tilespmem:s2+$0xFFFFFFA0];
	_ =	sdelay $0x2  }
0x253: {  	v2 =	vld [tilespmem:s2+$0xFFFFFFB0]  }
0x254: {  	v3 =	vld [tilespmem:s2+$0xFFFFFFC0]  }
0x255: {  	v4 =	vld [tilespmem:s2+$0xFFFFFFD0]  }
0x256: {  	v5 =	vld [tilespmem:s2+$0xFFFFFFE0]  }
0x257: {  	v0 =	vld.idx.msk [tilespmem:v0+s3+$0x0], $0xffff  }
0x258: {  	v1 =	vld.idx.msk [tilespmem:v1+s3+$0x0], $0xffff  }
0x259: {  	v6 =	vld [tilespmem:s2+$0xFFFFFFF0]  }
0x25a: {  	v7 =	vld [tilespmem:s2+$0xFFFFFF90];
	s2 =	simm.s32 $0x19FF0  }
0x25b: {  	v8 =	vld [tilespmem:s2+$0x0]  }
0x25c: {  	v10 =	vld [tilespmem:s2+$0xFFFFFFB0];
	v0 =	vadd.f32 v0, v0  }
0x25d: {  	v2 =	vld.idx.msk [tilespmem:v2+s3+$0x0], $0xffff;
	v1 =	vadd.f32 v1, v1  }
0x25e: {  	v3 =	vld.idx.msk [tilespmem:v3+s3+$0x0], $0xffff;
	v0 =	vmul.f32 $1.442695020e+00, v0  }
0x25f: {  	v4 =	vld.idx.msk [tilespmem:v4+s3+$0x0], $0xffff;
	v1 =	vmul.f32 $1.442695020e+00, v1  }
0x260: {  	v5 =	vld.idx.msk [tilespmem:v5+s3+$0x0], $0xffff;
	(erf) = vpow2.f32 v0  }
0x261: {  	v0 =	vld [tilespmem:s2+$0xFFFFFFC0];
	(erf) = vpow2.f32 v1  }
0x262: {  	v6 =	vld.idx.msk [tilespmem:v6+s3+$0x0], $0xffff;
	v2 =	vadd.f32 v2, v2  }
0x263: {  	v7 =	vld.idx.msk [tilespmem:v7+s3+$0x0], $0xffff  }
0x264: {  	v9 =	vld [tilespmem:s2+$0xFFFFFFA0];
	v3 =	vadd.f32 v3, v3;
	v2 =	vmul.f32 $1.442695020e+00, v2  }
0x265: {  	v11 =	vld [tilespmem:s2+$0xFFFFFFE0];
	v4 =	vadd.f32 v4, v4  }
0x266: {  	v12 =	vld [tilespmem:s2+$0xFFFFFFF0];
	v3 =	vmul.f32 $1.442695020e+00, v3;
	(erf) = vpow2.f32 v2;
	v2 =	vadd.f32 v5, v5  }
0x267: {  	v6 =	vadd.f32 v6, v6;
	v4 =	vmul.f32 $1.442695020e+00, v4;
	v1 =	vld [tilespmem:s2+$0xFFFFFFD0]  }
0x268: {  	v7 =	vadd.f32 v7, v7;
	v5 =	vld.idx.msk [tilespmem:v10+s3+$0x0], $0xffff;
	(erf) = vpow2.f32 v3;
	v10 =	vmul.f32 $1.442695020e+00, v2  }
0x269: {  	s31 =	simm.s32 $0x1C740;
	v6 =	vmul.f32 $1.442695020e+00, v6;
	(erf) = vpow2.f32 v4;
	v3 =	vld.idx.msk [tilespmem:v0+s3+$0x0], $0xffff;
	v0 =	vpop (erf)  }
0x26a: {  	v7 =	vmul.f32 $1.442695020e+00, v7;
	v4 =	vld [tilespmem:s2+$0xFFFFFF90];
	[tilespmem:s31+$0x30] =	vst v0;
	v0 =	vpop (erf);
	(erf) = vpow2.f32 v10  }
0x26b: {  	(erf) = vpow2.f32 v6  }
0x26c: {  	v8 =	vld.idx.msk [tilespmem:v8+s3+$0x0], $0xffff;
	(erf) = vpow2.f32 v7  }
0x26d: {  	v9 =	vld.idx.msk [tilespmem:v9+s3+$0x0], $0xffff;
	_ =	sdelay $0x1  }
0x26e: {  	v2 =	vld.idx.msk [tilespmem:v1+s3+$0x0], $0xffff  }
0x26f: {  	v1 =	vld.idx.msk [tilespmem:v11+s3+$0x0], $0xffff;
	[tilespmem:s31+$0xFFFFFFD0] =	vst v0;
	v10 =	vpop (erf)  }
0x270: {  	v0 =	vld.idx.msk [tilespmem:v12+s3+$0x0], $0xffff;
	[tilespmem:s31+$0xFFFFFFE0] =	vst v10;
	v6 =	vpop (erf);
	v7 =	vadd.f32 v8, v8  }
0x271: {  	s0 =	simm.s32 $0x80;
	s2 =	simm.s32 $0x1A070;
	v4 =	vld.idx.msk [tilespmem:v4+s3+$0x0], $0xffff;
	v8 =	vadd.f32 v9, v9;
	[tilespmem:s31+$0xFFFFFFF0] =	vst v6;
	v6 =	vpop (erf)  }
.LBB2_22:
0x272: {  	v9 =	vld [tilespmem:s2+$0x0];
	s0 =	sadd.s32 $0x80, s0;
	v5 =	vadd.f32 v5, v5;
	v7 =	vmul.f32 $1.442695020e+00, v7;
	[tilespmem:s31+$0x0] =	vst v6;
	v6 =	vpop (erf)  }
0x273: {  	v3 =	vadd.f32 v3, v3;
	v10 =	vld [tilespmem:s2+$0xFFFFFFA0];
	p0 =	slt.u32 s0, $0x1780;
	v8 =	vmul.f32 $1.442695020e+00, v8;
	[tilespmem:s31+$0x10] =	vst v6;
	v6 =	vpop (erf)  }
0x274: {  	v2 =	vadd.f32 v2, v2;
	v11 =	vld [tilespmem:s2+$0xFFFFFFB0];
	v5 =	vmul.f32 $1.442695020e+00, v5;
	(erf) = vpow2.f32 v7;
	[tilespmem:s31+$0x20] =	vst v6;
	v6 =	vpop (erf)  }
0x275: {  	v3 =	vmul.f32 $1.442695020e+00, v3;
	v1 =	vadd.f32 v1, v1;
	v7 =	vld [tilespmem:s2+$0xFFFFFFC0];
	(erf) = vpow2.f32 v8;
	[tilespmem:s31+$0xFFFFFFC0] =	vst v6  }
0x276: {  	v2 =	vmul.f32 $1.442695020e+00, v2;
	v0 =	vadd.f32 v0, v0;
	v6 =	vld [tilespmem:s2+$0xFFFFFFD0];
	(erf) = vpow2.f32 v5  }
0x277: {  	v4 =	vadd.f32 v4, v4;
	v1 =	vmul.f32 $1.442695020e+00, v1;
	v8 =	vld [tilespmem:s2+$0xFFFFFFE0];
	(erf) = vpow2.f32 v3  }
0x278: {  	v0 =	vmul.f32 $1.442695020e+00, v0;
	v12 =	vld [tilespmem:s2+$0xFFFFFFF0];
	(erf) = vpow2.f32 v2  }
0x279: {  	v2 =	vmul.f32 $1.442695020e+00, v4;
	v13 =	vld [tilespmem:s2+$0xFFFFFF90];
	(erf) = vpow2.f32 v1  }
0x27a: {  	v4 =	vld.idx.msk [tilespmem:v9+s3+$0x0], $0xffff;
	(erf) = vpow2.f32 v0  }
0x27b: {  	v9 =	vld.idx.msk [tilespmem:v10+s3+$0x0], $0xffff;
	(erf) = vpow2.f32 v2  }
0x27c: {  	v5 =	vld.idx.msk [tilespmem:v11+s3+$0x0], $0xffff  }
.Ltmp10:
0x27d: {  	s31 =	sadd.s32 $0x80, s31;
	v3 =	vld.idx.msk [tilespmem:v7+s3+$0x0], $0xffff;
	v0 =	vpop (erf);
	(pc) =	sbr.rel @p0 .LBB2_22-.Ltmp10, $4  }
0x27e: {  	v2 =	vld.idx.msk [tilespmem:v6+s3+$0x0], $0xffff;
	[tilespmem:s31+$0x30] =	vst v0;
	v0 =	vpop (erf)  }
0x27f: {  	v1 =	vld.idx.msk [tilespmem:v8+s3+$0x0], $0xffff;
	[tilespmem:s31+$0xFFFFFFD0] =	vst v0;
	v6 =	vpop (erf)  }
0x280: {  	v7 =	vadd.f32 v4, v4;
	v0 =	vld.idx.msk [tilespmem:v12+s3+$0x0], $0xffff;
	[tilespmem:s31+$0xFFFFFFE0] =	vst v6;
	v6 =	vpop (erf)  }
0x281: {  	s2 =	sadd.s32 $0x80, s2;
	v8 =	vadd.f32 v9, v9;
	v4 =	vld.idx.msk [tilespmem:v13+s3+$0x0], $0xffff;
	[tilespmem:s31+$0xFFFFFFF0] =	vst v6;
	v6 =	vpop (erf)  }
0x282: {  	v5 =	vadd.f32 v5, v5  }
0x283: {  	v7 =	vmul.f32 $1.442695020e+00, v7;
	v3 =	vadd.f32 v3, v3  }
0x284: {  	v8 =	vmul.f32 $1.442695020e+00, v8;
	v2 =	vadd.f32 v2, v2;
	v5 =	vmul.f32 $1.442695020e+00, v5  }
0x285: {  	(erf) = vpow2.f32 v7;
	v3 =	vmul.f32 $1.442695020e+00, v3;
	v1 =	vadd.f32 v1, v1  }
0x286: {  	(erf) = vpow2.f32 v8;
	v2 =	vmul.f32 $1.442695020e+00, v2;
	v0 =	vadd.f32 v0, v0  }
0x287: {  	(erf) = vpow2.f32 v5;
	v1 =	vmul.f32 $1.442695020e+00, v1  }
0x288: {  	v4 =	vadd.f32 v4, v4;
	(erf) = vpow2.f32 v3;
	v0 =	vmul.f32 $1.442695020e+00, v0  }
0x289: {  	(erf) = vpow2.f32 v2  }
0x28a: {  	v2 =	vmul.f32 $1.442695020e+00, v4;
	(erf) = vpow2.f32 v1  }
0x28b: {  	[tilespmem:s31+$0x0] =	vst v6;
	v1 =	vpop (erf);
	(erf) = vpow2.f32 v0  }
0x28c: {  	[tilespmem:s31+$0x10] =	vst v1;
	v0 =	vpop (erf);
	(erf) = vpow2.f32 v2  }
0x28d: {  	v1 =	vpop (erf);
	[tilespmem:s31+$0x20] =	vst v0  }
0x28e: {  	s0 =	sadd.s32 $0x80, s31;
	[tilespmem:s31+$0xFFFFFFC0] =	vst v1;
	v0 =	vpop (erf)  }
0x28f: {  	[tilespmem:s0+$0x30] =	vst v0;
	v0 =	vpop (erf)  }
0x290: {  	[tilespmem:s0+$0xFFFFFFD0] =	vst v0;
	v0 =	vpop (erf)  }
0x291: {  	[tilespmem:s0+$0xFFFFFFE0] =	vst v0;
	v0 =	vpop (erf)  }
0x292: {  	[tilespmem:s0+$0xFFFFFFF0] =	vst v0;
	v0 =	vpop (erf)  }
0x293: {  	[tilespmem:s0+$0x0] =	vst v0;
	v0 =	vpop (erf)  }
0x294: {  	[tilespmem:s0+$0x10] =	vst v0;
	v0 =	vpop (erf)  }
0x295: {  	[tilespmem:s0+$0x20] =	vst v0;
	v0 =	vpop (erf)  }
0x296: {  	[tilespmem:s0+$0xFFFFFFC0] =	vst v0  }
0x297: {  	[hbm4b:s18+s22] =	stream.strided.scatter [tilespmem:s26], [sflag:$0x2], $0x1800, s23, s22, $0x38;
	[tilespmem:$0x1F700] =	vst v63  }
0x298: {  	_ =	swait.ge [sflag:s29], $0x1800  }
0x299: {  	[sflag:s29] =	ssyncset.done $0x0  }
0x29a: {  	s2 =	simm.s32 $0x1B770;
	[sflag:s29] =	ssyncadd.s32 $0xFFFFE800  }
0x29b: {  	v0 =	vld [tilespmem:s2+$0x0]  }
0x29c: {  	v1 =	vld [tilespmem:s2+$0xFFFFFFA0];
	_ =	sdelay $0x2  }
0x29d: {  	v2 =	vld [tilespmem:s2+$0xFFFFFFB0]  }
0x29e: {  	v3 =	vld [tilespmem:s2+$0xFFFFFFC0]  }
0x29f: {  	v4 =	vld [tilespmem:s2+$0xFFFFFFD0]  }
0x2a0: {  	v5 =	vld [tilespmem:s2+$0xFFFFFFE0]  }
0x2a1: {  	v0 =	vld.idx.msk [tilespmem:v0+s3+$0x0], $0xffff  }
0x2a2: {  	v1 =	vld.idx.msk [tilespmem:v1+s3+$0x0], $0xffff  }
0x2a3: {  	v6 =	vld [tilespmem:s2+$0xFFFFFFF0]  }
0x2a4: {  	v7 =	vld [tilespmem:s2+$0xFFFFFF90];
	s2 =	simm.s32 $0x1B7F0  }
0x2a5: {  	v8 =	vld [tilespmem:s2+$0x0]  }
0x2a6: {  	v10 =	vld [tilespmem:s2+$0xFFFFFFB0];
	v0 =	vadd.f32 v0, v0  }
0x2a7: {  	v2 =	vld.idx.msk [tilespmem:v2+s3+$0x0], $0xffff;
	v1 =	vadd.f32 v1, v1  }
0x2a8: {  	v3 =	vld.idx.msk [tilespmem:v3+s3+$0x0], $0xffff;
	v0 =	vmul.f32 $1.442695020e+00, v0  }
0x2a9: {  	v4 =	vld.idx.msk [tilespmem:v4+s3+$0x0], $0xffff;
	v1 =	vmul.f32 $1.442695020e+00, v1  }
0x2aa: {  	v5 =	vld.idx.msk [tilespmem:v5+s3+$0x0], $0xffff;
	(erf) = vpow2.f32 v0  }
0x2ab: {  	v0 =	vld [tilespmem:s2+$0xFFFFFFC0];
	(erf) = vpow2.f32 v1  }
0x2ac: {  	v6 =	vld.idx.msk [tilespmem:v6+s3+$0x0], $0xffff;
	v2 =	vadd.f32 v2, v2  }
0x2ad: {  	v7 =	vld.idx.msk [tilespmem:v7+s3+$0x0], $0xffff  }
0x2ae: {  	v9 =	vld [tilespmem:s2+$0xFFFFFFA0];
	v3 =	vadd.f32 v3, v3;
	v2 =	vmul.f32 $1.442695020e+00, v2  }
0x2af: {  	v11 =	vld [tilespmem:s2+$0xFFFFFFE0];
	v4 =	vadd.f32 v4, v4  }
0x2b0: {  	v12 =	vld [tilespmem:s2+$0xFFFFFFF0];
	v3 =	vmul.f32 $1.442695020e+00, v3;
	(erf) = vpow2.f32 v2;
	v2 =	vadd.f32 v5, v5  }
0x2b1: {  	v6 =	vadd.f32 v6, v6;
	v4 =	vmul.f32 $1.442695020e+00, v4;
	v1 =	vld [tilespmem:s2+$0xFFFFFFD0]  }
0x2b2: {  	v7 =	vadd.f32 v7, v7;
	v5 =	vld.idx.msk [tilespmem:v10+s3+$0x0], $0xffff;
	(erf) = vpow2.f32 v3;
	v10 =	vmul.f32 $1.442695020e+00, v2  }
0x2b3: {  	s31 =	simm.s32 $0x1DF70;
	v6 =	vmul.f32 $1.442695020e+00, v6;
	(erf) = vpow2.f32 v4;
	v3 =	vld.idx.msk [tilespmem:v0+s3+$0x0], $0xffff;
	v0 =	vpop (erf)  }
0x2b4: {  	v7 =	vmul.f32 $1.442695020e+00, v7;
	v4 =	vld [tilespmem:s2+$0xFFFFFF90];
	[tilespmem:s31+$0x0] =	vst v0;
	v0 =	vpop (erf);
	(erf) = vpow2.f32 v10  }
0x2b5: {  	(erf) = vpow2.f32 v6  }
0x2b6: {  	v8 =	vld.idx.msk [tilespmem:v8+s3+$0x0], $0xffff;
	(erf) = vpow2.f32 v7  }
0x2b7: {  	v9 =	vld.idx.msk [tilespmem:v9+s3+$0x0], $0xffff;
	_ =	sdelay $0x1  }
0x2b8: {  	v2 =	vld.idx.msk [tilespmem:v1+s3+$0x0], $0xffff  }
0x2b9: {  	v1 =	vld.idx.msk [tilespmem:v11+s3+$0x0], $0xffff;
	[tilespmem:s31+$0xFFFFFFA0] =	vst v0;
	v10 =	vpop (erf)  }
0x2ba: {  	v0 =	vld.idx.msk [tilespmem:v12+s3+$0x0], $0xffff;
	[tilespmem:s31+$0xFFFFFFB0] =	vst v10;
	v6 =	vpop (erf);
	v7 =	vadd.f32 v8, v8  }
0x2bb: {  	s0 =	simm.s32 $0x80;
	s2 =	simm.s32 $0x1B870;
	v4 =	vld.idx.msk [tilespmem:v4+s3+$0x0], $0xffff;
	v8 =	vadd.f32 v9, v9;
	[tilespmem:s31+$0xFFFFFFC0] =	vst v6;
	v6 =	vpop (erf)  }
.LBB2_24:
0x2bc: {  	v9 =	vld [tilespmem:s2+$0x0];
	s0 =	sadd.s32 $0x80, s0;
	v5 =	vadd.f32 v5, v5;
	v7 =	vmul.f32 $1.442695020e+00, v7;
	[tilespmem:s31+$0xFFFFFFD0] =	vst v6;
	v6 =	vpop (erf)  }
0x2bd: {  	v3 =	vadd.f32 v3, v3;
	v10 =	vld [tilespmem:s2+$0xFFFFFFA0];
	p0 =	slt.u32 s0, $0xF80;
	v8 =	vmul.f32 $1.442695020e+00, v8;
	[tilespmem:s31+$0xFFFFFFE0] =	vst v6;
	v6 =	vpop (erf)  }
0x2be: {  	v2 =	vadd.f32 v2, v2;
	v11 =	vld [tilespmem:s2+$0xFFFFFFB0];
	v5 =	vmul.f32 $1.442695020e+00, v5;
	(erf) = vpow2.f32 v7;
	[tilespmem:s31+$0xFFFFFFF0] =	vst v6;
	v6 =	vpop (erf)  }
0x2bf: {  	v3 =	vmul.f32 $1.442695020e+00, v3;
	v1 =	vadd.f32 v1, v1;
	v7 =	vld [tilespmem:s2+$0xFFFFFFC0];
	(erf) = vpow2.f32 v8;
	[tilespmem:s31+$0xFFFFFF90] =	vst v6  }
0x2c0: {  	v2 =	vmul.f32 $1.442695020e+00, v2;
	v0 =	vadd.f32 v0, v0;
	v6 =	vld [tilespmem:s2+$0xFFFFFFD0];
	(erf) = vpow2.f32 v5  }
0x2c1: {  	v4 =	vadd.f32 v4, v4;
	v1 =	vmul.f32 $1.442695020e+00, v1;
	v8 =	vld [tilespmem:s2+$0xFFFFFFE0];
	(erf) = vpow2.f32 v3  }
0x2c2: {  	v0 =	vmul.f32 $1.442695020e+00, v0;
	v12 =	vld [tilespmem:s2+$0xFFFFFFF0];
	(erf) = vpow2.f32 v2  }
0x2c3: {  	v2 =	vmul.f32 $1.442695020e+00, v4;
	v13 =	vld [tilespmem:s2+$0xFFFFFF90];
	(erf) = vpow2.f32 v1  }
0x2c4: {  	v4 =	vld.idx.msk [tilespmem:v9+s3+$0x0], $0xffff;
	(erf) = vpow2.f32 v0  }
0x2c5: {  	v9 =	vld.idx.msk [tilespmem:v10+s3+$0x0], $0xffff;
	(erf) = vpow2.f32 v2  }
0x2c6: {  	v5 =	vld.idx.msk [tilespmem:v11+s3+$0x0], $0xffff  }
.Ltmp11:
0x2c7: {  	s31 =	sadd.s32 $0x80, s31;
	v3 =	vld.idx.msk [tilespmem:v7+s3+$0x0], $0xffff;
	v0 =	vpop (erf);
	(pc) =	sbr.rel @p0 .LBB2_24-.Ltmp11, $4  }
0x2c8: {  	v2 =	vld.idx.msk [tilespmem:v6+s3+$0x0], $0xffff;
	[tilespmem:s31+$0x0] =	vst v0;
	v0 =	vpop (erf)  }
0x2c9: {  	v1 =	vld.idx.msk [tilespmem:v8+s3+$0x0], $0xffff;
	[tilespmem:s31+$0xFFFFFFA0] =	vst v0;
	v6 =	vpop (erf)  }
0x2ca: {  	v7 =	vadd.f32 v4, v4;
	v0 =	vld.idx.msk [tilespmem:v12+s3+$0x0], $0xffff;
	[tilespmem:s31+$0xFFFFFFB0] =	vst v6;
	v6 =	vpop (erf)  }
0x2cb: {  	s2 =	sadd.s32 $0x80, s2;
	v8 =	vadd.f32 v9, v9;
	v4 =	vld.idx.msk [tilespmem:v13+s3+$0x0], $0xffff;
	[tilespmem:s31+$0xFFFFFFC0] =	vst v6;
	v6 =	vpop (erf)  }
0x2cc: {  	v5 =	vadd.f32 v5, v5;
	v7 =	vmul.f32 $1.442695020e+00, v7  }
0x2cd: {  	v3 =	vadd.f32 v3, v3;
	v8 =	vmul.f32 $1.442695020e+00, v8  }
0x2ce: {  	v2 =	vadd.f32 v2, v2;
	v5 =	vmul.f32 $1.442695020e+00, v5;
	(erf) = vpow2.f32 v7  }
0x2cf: {  	v3 =	vmul.f32 $1.442695020e+00, v3;
	v1 =	vadd.f32 v1, v1;
	(erf) = vpow2.f32 v8  }
0x2d0: {  	v2 =	vmul.f32 $1.442695020e+00, v2;
	v0 =	vadd.f32 v0, v0;
	(erf) = vpow2.f32 v5  }
0x2d1: {  	v4 =	vadd.f32 v4, v4;
	v1 =	vmul.f32 $1.442695020e+00, v1;
	(erf) = vpow2.f32 v3  }
0x2d2: {  	v0 =	vmul.f32 $1.442695020e+00, v0;
	(erf) = vpow2.f32 v2  }
0x2d3: {  	v52 =	vmul.f32 $1.442695020e+00, v4;
	(erf) = vpow2.f32 v1  }
0x2d4: {  	[tilespmem:s31+$0xFFFFFFD0] =	vst v6;
	v53 =	vpop (erf);
	(erf) = vpow2.f32 v0  }
0x2d5: {  	[tilespmem:s31+$0xFFFFFFE0] =	vst v53;
	v54 =	vpop (erf);
	(erf) = vpow2.f32 v52  }
0x2d6: {  	v55 =	vpop (erf);
	[tilespmem:s31+$0xFFFFFFF0] =	vst v54  }
0x2d7: {  	s0 =	sadd.s32 $0x80, s31;
	[tilespmem:s31+$0xFFFFFF90] =	vst v55;
	v56 =	vpop (erf)  }
0x2d8: {  	[tilespmem:s0+$0x0] =	vst v56;
	v57 =	vpop (erf)  }
0x2d9: {  	[tilespmem:s0+$0xFFFFFFA0] =	vst v57;
	v58 =	vpop (erf)  }
0x2da: {  	[tilespmem:s0+$0xFFFFFFB0] =	vst v58;
	v59 =	vpop (erf)  }
0x2db: {  	[tilespmem:s0+$0xFFFFFFC0] =	vst v59;
	v60 =	vpop (erf)  }
0x2dc: {  	[tilespmem:s0+$0xFFFFFFD0] =	vst v60;
	v61 =	vpop (erf)  }
0x2dd: {  	[tilespmem:s0+$0xFFFFFFE0] =	vst v61;
	v62 =	vpop (erf)  }
0x2de: {  	[tilespmem:s0+$0xFFFFFFF0] =	vst v62;
	v63 =	vpop (erf)  }
0x2df: {  	s30 =	sadd.s32 $0x1, s30;
	[tilespmem:s0+$0xFFFFFF90] =	vst v63  }
0x2e0: {  	[hbm4b:s19+s22] =	stream.strided.scatter [tilespmem:s28], [sflag:$0x2], $0x1000, s23, s22, $0x38;
	[tilespmem:$0x1F700] =	vst v63  }
0x2e1: {  	p0 =	sne.s32 s30, s20;
	_ =	swait.ge [sflag:s29], $0x1800  }
.Ltmp12:
0x2e2: {  	[sflag:s29] =	ssyncset.done $0x0;
	(pc) =	sbr.rel @p0 .LBB2_1-.Ltmp12, $4  }
0x2e3: {  	[sflag:s29] =	ssyncadd.s32 $0xFFFFE800  }
0x2e4: {  	_ =	swait.ge [sflag:s29], $0x1000  }
0x2e5: {  	[sflag:s29] =	ssyncset.done $0x0  }
0x2e6: {  	[sflag:s29] =	ssyncadd.s32 $0xFFFFF000  }
0x2e7: {  	_ =	sfence.sel $0x180000  }
0x2e8: {  	[bflag:$0x0] =	sbarrier.arrive $0xFFFF  }
0x2e9: {  	_ =	strace $0x90000047  }
0x2ea: {  	s0 =	stileid.u32;
	[bflag:$0x2] =	sbarrier.arrive $0xFFFF  }
0x2eb: {  	p0 =	sne.s32 s0, $0x0;
	s0 =	rddreg [dreg:$0x5]  }
0x2ec: {  	s0 =	sadd.s32 @!p0 $0x100000, s0  }
0x2ed: {  	[sflag:s0] =	ssyncadd.tile.s32 @!p0 $0x1;
	_ =	shalt  }
.Lfunc_end2:
_tile_overlayer_lowered:
.L_overlay_start_2:
0x2ee: {  	(tag) =	ssettag $0x2  }
0x2ef: {  	s0 =	rddreg [dreg:$0x0];
	s2 =	stileid.u32  }
0x2f0: {  	s1 =	rddreg [dreg:$0x1];
	p0 =	sne.s32 s2, $0x0  }
0x2f1: {  	s3 =	rddreg [dreg:$0x2];
	[bflag:$0x3] =	sbarrier.arrive $0xFFFF;
	s2 =	simm.s32 @!p0 $0x1C03  }
0x2f2: {  	[timem:s3], [sflag:s2] =	dma.local @!p0 [hbm:s0], s1  }
0x2f3: {  	s0 =	simm.s32 @!p0 $0x3  }
0x2f4: {  	_ =	swait.ge @!p0 [sflag:s0], s1  }
0x2f5: {  	s1 =	ssub.s32 @!p0 $0x0, s1;
	[sflag:s0] =	ssyncset.done @!p0 $0x0  }
0x2f6: {  	[sflag:s0] =	ssyncadd.s32 @!p0 s1  }
0x2f7: {  	[bflag:$0x3] =	sbarrier.arrive $0xFFFF  }
0x2f8: {  	_ =	shalt  }

</sc_bundles>
